<compile_context>
chip_gen: v7x
topology: tpu7x:2x2x1
jax: 0.10.2.dev20260603
libtpu: 0.0.44.dev20260713+nightly
codegen_flags: <defaults>
</compile_context>

<pallas_src>
import functools

import jax
import jax.numpy as jnp
from jax import lax
from jax.experimental import pallas as pl
from jax.experimental.pallas import tpu as pltpu
from jax.experimental.pallas import tpu_sc as plsc

H, W = 512, 512
HW = H * W
B = 8
N = 131072
NREG = 8
R = HW // NREG
NTASK = B * NREG
CHUNK = 8192
L = 16

_mesh = plsc.VectorSubcoreMesh(core_axis_name="c", subcore_axis_name="s")


def _pix_body(pts, pix):
    x = pts[0]
    y = pts[1]
    u = jnp.minimum((x * jnp.float32(W)).astype(jnp.int32), W - 1)
    v = jnp.minimum((y * jnp.float32(H)).astype(jnp.int32), H - 1)
    pix[0] = (v << 9) | u


_tc_pix = pl.pallas_call(
    _pix_body,
    grid=(B,),
    in_specs=[pl.BlockSpec((4, 1024, 128), lambda b: (b, 0, 0))],
    out_specs=pl.BlockSpec((1, 1024, 128), lambda b: (b, 0, 0)),
    out_shape=jax.ShapeDtypeStruct((B, 1024, 128), jnp.int32),
)


@functools.partial(
    pl.kernel,
    mesh=_mesh,
    out_type=[
        jax.ShapeDtypeStruct((B * NREG * R,), jnp.float32),
        jax.ShapeDtypeStruct((B * 3 * NREG * R,), jnp.float32),
        jax.ShapeDtypeStruct((B * NREG * R,), jnp.int32),
    ],
    scratch_types=[
        pltpu.VMEM((CHUNK,), jnp.int32),
        pltpu.VMEM((CHUNK,), jnp.float32),
        pltpu.VMEM((R,), jnp.float32),
        pltpu.VMEM((R,), jnp.int32),
        pltpu.VMEM((2048,), jnp.int32),
        pltpu.VMEM((CHUNK,), jnp.float32),
        pltpu.VMEM((R,), jnp.float32),
    ],
    compiler_params=pltpu.CompilerParams(needs_layout_passes=False),
)
def _sc_project(points_hbm, pix_hbm, colors_hbm,
                depth_hbm, img_hbm, idx_hbm,
                pixb, zb, depth_v, id_v, tmp_v, cb2, img2):
    wid = lax.axis_index("s") * 2 + lax.axis_index("c")
    lane = lax.iota(jnp.int32, L)
    inf16 = jnp.full((L,), jnp.inf, dtype=jnp.float32)
    zero16 = jnp.zeros((L,), dtype=jnp.float32)
    n16 = jnp.full((L,), N, dtype=jnp.int32)
    nc = N // CHUNK

    for k in range(NTASK // 32):
        t = wid + 32 * k
        b = t >> 3
        q = t & 7
        pbase = b * 4 * N
        cbase = b * 3 * N

        def init_body(i, _):
            depth_v[pl.ds(i * L, L)] = inf16
            id_v[pl.ds(i * L, L)] = n16
            return 0
        lax.fori_loop(0, R // L, init_body, 0)

        def chunk_body(c, _):
            off = c * CHUNK
            pltpu.sync_copy(pix_hbm.at[pl.ds(b * N + off, CHUNK)], pixb)
            pltpu.sync_copy(points_hbm.at[pl.ds(pbase + 2 * N + off, CHUNK)],
                            zb)

            def process(jbase, lex, dirty):
                s = pl.ds(jbase, L)
                pix = pixb[s]
                z = zb[s]
                in_reg = (pix >> 15) == q
                local = pix & (R - 1)
                ids = (off + jbase) + lane
                d0 = plsc.load_gather(depth_v, [local])
                if lex:
                    i0 = plsc.load_gather(id_v, [local])
                    want = in_reg & ((z < d0) | ((z == d0) & (ids < i0)))
                else:
                    want = in_reg & (z < d0)
                slot = local & 2047
                plsc.store_scatter(tmp_v, [slot], lane, mask=want)
                winner = plsc.load_gather(tmp_v, [slot])
                lead = want & (winner == lane)
                plsc.store_scatter(depth_v, [local], z, mask=lead)
                plsc.store_scatter(id_v, [local], ids, mask=lead)
                return dirty | (want ^ lead)

            def make_pass(lex):
                def vec_body(j, dirty):
                    dirty = process(j * 2 * L, lex, dirty)
                    dirty = process(j * 2 * L + L, lex, dirty)
                    return dirty
                return lax.fori_loop(0, CHUNK // (2 * L), vec_body,
                                     jnp.zeros((L,), dtype=jnp.bool_))

            dirty = make_pass(lex=False)
            lax.while_loop(jnp.any, lambda d: make_pass(lex=True), dirty)
            return 0
        lax.fori_loop(0, nc, chunk_body, 0)

        def fin_body(i, _):
            s = pl.ds(i * L, L)
            idv = id_v[s]
            dv = depth_v[s]
            valid = idv < N
            id_v[s] = jnp.where(valid, idv, -1)
            depth_v[s] = jnp.where(valid, dv, 0.0)
            img2[s] = zero16
            return 0
        lax.fori_loop(0, R // L, fin_body, 0)

        obase = (b * NREG + q) * R
        pltpu.sync_copy(depth_v, depth_hbm.at[pl.ds(obase, R)])
        pltpu.sync_copy(id_v, idx_hbm.at[pl.ds(obase, R)])

        def cchunk2(c, _):
            off = c * CHUNK
            pltpu.sync_copy(pix_hbm.at[pl.ds(b * N + off, CHUNK)], pixb)
            pltpu.sync_copy(colors_hbm.at[pl.ds(cbase + off, CHUNK)], zb)
            pltpu.sync_copy(colors_hbm.at[pl.ds(cbase + N + off, CHUNK)],
                            cb2)

            def cprocA(jbase):
                s = pl.ds(jbase, L)
                pix = pixb[s]
                in_reg = (pix >> 15) == q
                local = pix & (R - 1)
                ids = (off + jbase) + lane
                widv = plsc.load_gather(id_v, [local])
                win = in_reg & (widv == ids)
                plsc.store_scatter(depth_v, [local], zb[s], mask=win)
                plsc.store_scatter(img2, [local], cb2[s], mask=win)

            def cvecA(j, _):
                cprocA(j * 2 * L)
                cprocA(j * 2 * L + L)
                return 0
            lax.fori_loop(0, CHUNK // (2 * L), cvecA, 0)
            return 0
        lax.fori_loop(0, nc, cchunk2, 0)

        ibase = (b * 3 * NREG + q) * R
        pltpu.sync_copy(depth_v, img_hbm.at[pl.ds(ibase, R)])
        pltpu.sync_copy(img2, img_hbm.at[pl.ds(ibase + NREG * R, R)])

        def cchunk1(c, _):
            off = c * CHUNK
            pltpu.sync_copy(pix_hbm.at[pl.ds(b * N + off, CHUNK)], pixb)
            pltpu.sync_copy(
                colors_hbm.at[pl.ds(cbase + 2 * N + off, CHUNK)], zb)

            def cprocB(jbase):
                s = pl.ds(jbase, L)
                pix = pixb[s]
                cv = zb[s]
                in_reg = (pix >> 15) == q
                local = pix & (R - 1)
                ids = (off + jbase) + lane
                widv = plsc.load_gather(id_v, [local])
                win = in_reg & (widv == ids)
                plsc.store_scatter(depth_v, [local], cv, mask=win)

            def cvecB(j, _):
                cprocB(j * 2 * L)
                cprocB(j * 2 * L + L)
                return 0
            lax.fori_loop(0, CHUNK // (2 * L), cvecB, 0)
            return 0
        lax.fori_loop(0, nc, cchunk1, 0)

        pltpu.sync_copy(depth_v, img_hbm.at[pl.ds(ibase + 2 * NREG * R, R)])


def kernel(points, colors):
    pix = _tc_pix(points.reshape(B * 4, 1024, 128))
    depth, img, index = _sc_project(points.reshape(-1), pix.reshape(-1),
                                    colors.reshape(-1))
    return (depth.reshape(B, H, W),
            img.reshape(B, 3, H, W),
            index.reshape(B, H, W))

# --- scband reference (transcript-rebuilt; emitter-appended) ---
"""Pipeline reference for scband-direct-projecter-10230612099897 (READ-ONLY COPY).

The authoritative reference and input builder live on the scoring server;
editing this copy changes nothing except your own understanding.
"""

import jax, jax.numpy as jnp
import numpy as np

H, W = 512, 512

def setup_inputs(seed: int = 0) -> dict:
    key = jax.random.key(seed)
    k1, k2 = jax.random.split(key)
    points = jax.random.uniform(k1, (8, 4, 131072), dtype=jnp.float32)
    colors = jax.random.uniform(k2, (8, 3, 131072), dtype=jnp.float32)
    return {"points": points, "colors": colors}

def reference(points, colors):
    # points: B x 4 x N  -> rows are (x, y, z, radius); x,y are normalized [0,1) image coords
    # colors: B x C x N
    B, _, N = points.shape
    u = jnp.clip(jnp.floor(points[:, 0] * W).astype(jnp.int32), 0, W - 1)
    v = jnp.clip(jnp.floor(points[:, 1] * H).astype(jnp.int32), 0, H - 1)
    z = points[:, 2]
    pix = v * W + u  # B x N flattened pixel index

    def per_batch(pix_b, z_b, col_b):
        # z-buffer: scatter-min of depth per pixel
        d = jnp.full((H * W,), jnp.inf, dtype=z_b.dtype).at[pix_b].min(z_b)
        # recover winning point index per pixel (smallest point id among depth ties)
        ids = jnp.arange(N, dtype=jnp.int32)
        match = z_b == d[pix_b]
        ids_m = jnp.where(match, ids, jnp.int32(N))
        idx = jnp.full((H * W,), N, dtype=jnp.int32).at[pix_b].min(ids_m)
        valid = idx < N
        idx_safe = jnp.where(valid, idx, 0)
        depth_map = jnp.where(valid, jnp.take(z_b, idx_safe), 0.0)
        img = jnp.where(valid[None, :], jnp.take(col_b, idx_safe, axis=1), 0.0)
        index = jnp.where(valid, idx, -1)
        return depth_map.reshape(H, W), img.reshape(col_b.shape[0], H, W), index.reshape(H, W)

    depth_map, img, index = jax.vmap(per_batch)(pix, z, colors)
    return depth_map, img, index

if __name__ == "__main__":
    import jax
    _d = setup_inputs()
    print(jax.jit(kernel)(*tuple(_d.values())))

</pallas_src>

<mosaic_0001>
#map = affine_map<(d0, d1) -> (0)>
module attributes {stable_mosaic.version = 14 : i64} {
  func.func @_sc_project(%arg0: i32, %arg1: i32, %arg2: memref<4194304xf32, #tpu.memory_space<hbm>>, %arg3: memref<1048576xi32, #tpu.memory_space<hbm>>, %arg4: memref<3145728xf32, #tpu.memory_space<hbm>>, %arg5: memref<2097152xf32, #tpu.memory_space<hbm>>, %arg6: memref<6291456xf32, #tpu.memory_space<hbm>>, %arg7: memref<2097152xi32, #tpu.memory_space<hbm>>, %arg8: memref<8192xi32, #tpu.memory_space<vmem>>, %arg9: memref<8192xf32, #tpu.memory_space<vmem>>, %arg10: memref<32768xf32, #tpu.memory_space<vmem>>, %arg11: memref<32768xi32, #tpu.memory_space<vmem>>, %arg12: memref<2048xi32, #tpu.memory_space<vmem>>, %arg13: memref<8192xf32, #tpu.memory_space<vmem>>, %arg14: memref<32768xf32, #tpu.memory_space<vmem>>) attributes {dimension_semantics = [#tpu.dimension_semantics<core_parallel>, #tpu.dimension_semantics<subcore_parallel>], iteration_bounds = array<i64: 2, 16>, scalar_prefetch = 0 : i64, scratch_operands = 7 : i64, tpu.core_type = #tpu.core_type<sc_vector_subcore>, window_params = [{transform_indices = #map}, {transform_indices = #map}, {transform_indices = #map}, {transform_indices = #map}, {transform_indices = #map}, {transform_indices = #map}]} {
    %mul3A = arith.constant 2 : i32
    %mul3A_0 = arith.muli %arg1, %mul3A : i32
    %add3A = arith.addi %mul3A_0, %arg0 : i32
    %iota3A = tpu.iota {dimensions = array<i32: 0>} : vector<16xi32>
    %broadcast_in_dim3A = arith.constant 0x7F800000 : f32
    %broadcast_in_dim3A_1 = vector.broadcast %broadcast_in_dim3A : f32 to vector<16xf32>
    %broadcast_in_dim3A_2 = arith.constant 0.000000e+00 : f32
    %broadcast_in_dim3A_3 = vector.broadcast %broadcast_in_dim3A_2 : f32 to vector<16xf32>
    %broadcast_in_dim3A_4 = arith.constant 131072 : i32
    %broadcast_in_dim3A_5 = vector.broadcast %broadcast_in_dim3A_4 : i32 to vector<16xi32>
    %add3A_6 = arith.constant 0 : i32
    %add3A_7 = arith.addi %add3A, %add3A_6 : i32
    %shift_right_arithmetic3A = arith.constant 3 : i32
    %shift_right_arithmetic3A_8 = arith.shrsi %add3A_7, %shift_right_arithmetic3A : i32
    %and3A = arith.constant 7 : i32
    %and3A_9 = arith.andi %add3A_7, %and3A : i32
    %mul3A_10 = arith.constant 4 : i32
    %mul3A_11 = arith.muli %shift_right_arithmetic3A_8, %mul3A_10 : i32
    %mul3A_12 = arith.constant 131072 : i32
    %mul3A_13 = arith.muli %mul3A_11, %mul3A_12 : i32
    %mul3A_14 = arith.constant 3 : i32
    %mul3A_15 = arith.muli %shift_right_arithmetic3A_8, %mul3A_14 : i32
    %mul3A_16 = arith.constant 131072 : i32
    %mul3A_17 = arith.muli %mul3A_15, %mul3A_16 : i32
    %scan3A = arith.constant 0 : i32
    %scan3A_18 = arith.constant 0 : i32
    %scan3A_19 = arith.constant 2048 : i32
    %scan3A_20 = arith.addi %scan3A_18, %scan3A_19 : i32
    %scan3A_21 = arith.constant 1 : i32
    %scan3A_22 = scf.for %scan3A_133 = %scan3A_18 to %scan3A_20 step %scan3A_21 iter_args(%scan3A_134 = %scan3A) -> (i32)  : i32 {
      %mul3A_135 = arith.constant 16 : i32
      %mul3A_136 = arith.muli %scan3A_133, %mul3A_135 : i32
      %swap3A = arith.index_cast %mul3A_136 : i32 to index
      %swap3A_137 = tpu.vector_load %arg10[%swap3A] {strides = array<i32>} : memref<32768xf32, #tpu.memory_space<vmem>>, vector<16xf32>,
      tpu.vector_store %arg10[%swap3A], %broadcast_in_dim3A_1 {strides = array<i32>} : memref<32768xf32, #tpu.memory_space<vmem>>, vector<16xf32>,
      %mul3A_138 = arith.constant 16 : i32
      %mul3A_139 = arith.muli %scan3A_133, %mul3A_138 : i32
      %swap3A_140 = arith.index_cast %mul3A_139 : i32 to index
      %swap3A_141 = tpu.vector_load %arg11[%swap3A_140] {strides = array<i32>} : memref<32768xi32, #tpu.memory_space<vmem>>, vector<16xi32>,
      tpu.vector_store %arg11[%swap3A_140], %broadcast_in_dim3A_5 {strides = array<i32>} : memref<32768xi32, #tpu.memory_space<vmem>>, vector<16xi32>,
      %scan3A_142 = arith.constant 0 : i32
      scf.yield %scan3A_142 : i32
    }
    %scan3A_23 = arith.constant 2048 : i32
    %scan3A_24 = arith.constant 0 : i32
    %scan3A_25 = arith.constant 0 : i32
    %scan3A_26 = arith.constant 16 : i32
    %scan3A_27 = arith.addi %scan3A_25, %scan3A_26 : i32
    %scan3A_28 = arith.constant 1 : i32
    %scan3A_29 = scf.for %scan3A_133 = %scan3A_25 to %scan3A_27 step %scan3A_28 iter_args(%scan3A_134 = %scan3A_24) -> (i32)  : i32 {
      %mul3A_135 = arith.constant 8192 : i32
      %mul3A_136 = arith.muli %scan3A_133, %mul3A_135 : i32
      %mul3A_137 = arith.constant 131072 : i32
      %mul3A_138 = arith.muli %shift_right_arithmetic3A_8, %mul3A_137 : i32
      %add3A_139 = arith.addi %mul3A_138, %mul3A_136 : i32
      "tpu.region"() ({
        %run_scoped3A = tpu.sem_alloc : memref<!tpu.dma_semaphore, #tpu.memory_space<semaphore_mem>>
        %dma_start3A = tpu.memref_slice %arg3[%add3A_139] : memref<1048576xi32, #tpu.memory_space<hbm>> -> memref<8192xi32, #tpu.memory_space<hbm>>
        %dma_start3A_152 = tpu.memref_slice %arg3[%add3A_139] : memref<1048576xi32, #tpu.memory_space<hbm>> -> memref<8192xi32, #tpu.memory_space<hbm>>
        tpu.enqueue_dma source(%dma_start3A_152 : memref<8192xi32, #tpu.memory_space<hbm>>) target(%arg8 : memref<8192xi32, #tpu.memory_space<vmem>>) target_semaphore(%run_scoped3A : memref<!tpu.dma_semaphore, #tpu.memory_space<semaphore_mem>>)
        %dma_wait3A = tpu.memref_slice %arg3[%add3A_139] : memref<1048576xi32, #tpu.memory_space<hbm>> -> memref<8192xi32, #tpu.memory_space<hbm>>
        %dma_wait3A_153 = tpu.memref_slice %arg3[%add3A_139] : memref<1048576xi32, #tpu.memory_space<hbm>> -> memref<8192xi32, #tpu.memory_space<hbm>>
        tpu.wait_dma2 semaphore(%run_scoped3A : memref<!tpu.dma_semaphore, #tpu.memory_space<semaphore_mem>>) src(%dma_wait3A_153 : memref<8192xi32, #tpu.memory_space<hbm>>) dst(%arg8 : memref<8192xi32, #tpu.memory_space<vmem>>)
        tpu.yield
      }) : () -> ()
      %add3A_140 = arith.constant 262144 : i32
      %add3A_141 = arith.addi %mul3A_13, %add3A_140 : i32
      %add3A_142 = arith.addi %add3A_141, %mul3A_136 : i32
      "tpu.region"() ({
        %run_scoped3A = tpu.sem_alloc : memref<!tpu.dma_semaphore, #tpu.memory_space<semaphore_mem>>
        %dma_start3A = tpu.memref_slice %arg2[%add3A_142] : memref<4194304xf32, #tpu.memory_space<hbm>> -> memref<8192xf32, #tpu.memory_space<hbm>>
        %dma_start3A_152 = tpu.memref_slice %arg2[%add3A_142] : memref<4194304xf32, #tpu.memory_space<hbm>> -> memref<8192xf32, #tpu.memory_space<hbm>>
        tpu.enqueue_dma source(%dma_start3A_152 : memref<8192xf32, #tpu.memory_space<hbm>>) target(%arg9 : memref<8192xf32, #tpu.memory_space<vmem>>) target_semaphore(%run_scoped3A : memref<!tpu.dma_semaphore, #tpu.memory_space<semaphore_mem>>)
        %dma_wait3A = tpu.memref_slice %arg2[%add3A_142] : memref<4194304xf32, #tpu.memory_space<hbm>> -> memref<8192xf32, #tpu.memory_space<hbm>>
        %dma_wait3A_153 = tpu.memref_slice %arg2[%add3A_142] : memref<4194304xf32, #tpu.memory_space<hbm>> -> memref<8192xf32, #tpu.memory_space<hbm>>
        tpu.wait_dma2 semaphore(%run_scoped3A : memref<!tpu.dma_semaphore, #tpu.memory_space<semaphore_mem>>) src(%dma_wait3A_153 : memref<8192xf32, #tpu.memory_space<hbm>>) dst(%arg9 : memref<8192xf32, #tpu.memory_space<vmem>>)
        tpu.yield
      }) : () -> ()
      %broadcast_in_dim3A_143 = arith.constant false
      %broadcast_in_dim3A_144 = vector.broadcast %broadcast_in_dim3A_143 : i1 to vector<16xi1>
      %scan3A_145 = arith.constant 0 : i32
      %scan3A_146 = arith.constant 256 : i32
      %scan3A_147 = arith.addi %scan3A_145, %scan3A_146 : i32
      %scan3A_148 = arith.constant 1 : i32
      %scan3A_149 = scf.for %scan3A_152 = %scan3A_145 to %scan3A_147 step %scan3A_148 iter_args(%scan3A_153 = %broadcast_in_dim3A_144) -> (vector<16xi1>)  : i32 {
        %mul3A_154 = arith.constant 2 : i32
        %mul3A_155 = arith.muli %scan3A_152, %mul3A_154 : i32
        %mul3A_156 = arith.constant 16 : i32
        %mul3A_157 = arith.muli %mul3A_155, %mul3A_156 : i32
        %get3A = arith.index_cast %mul3A_157 : i32 to index
        %get3A_158 = tpu.vector_load %arg8[%get3A] {strides = array<i32>} : memref<8192xi32, #tpu.memory_space<vmem>>, vector<16xi32>,
        %get3A_159 = arith.index_cast %mul3A_157 : i32 to index
        %get3A_160 = tpu.vector_load %arg9[%get3A_159] {strides = array<i32>} : memref<8192xf32, #tpu.memory_space<vmem>>, vector<16xf32>,
        %shift_right_arithmetic3A_161 = arith.constant 15 : i32
        %shift_right_arithmetic3A_162 = vector.broadcast %shift_right_arithmetic3A_161 : i32 to vector<16xi32>
        %shift_right_arithmetic3A_163 = arith.shrsi %get3A_158, %shift_right_arithmetic3A_162 : vector<16xi32>
        %eq3A = vector.broadcast %and3A_9 : i32 to vector<16xi32>
        %eq3A_164 = arith.cmpi eq, %shift_right_arithmetic3A_163, %eq3A : vector<16xi32>
        %and3A_165 = arith.constant 32767 : i32
        %and3A_166 = vector.broadcast %and3A_165 : i32 to vector<16xi32>
        %and3A_167 = arith.andi %get3A_158, %and3A_166 : vector<16xi32>
        %add3A_168 = arith.addi %mul3A_136, %mul3A_157 : i32
        %add3A_169 = vector.broadcast %add3A_168 : i32 to vector<16xi32>
        %add3A_170 = arith.addi %add3A_169, %iota3A : vector<16xi32>
        %gather3A = tpu.vector_load_idx %arg10[%and3A_167] : memref<32768xf32, #tpu.memory_space<vmem>>[vector<16xi32>], vector<16xf32>,
        %lt3A = arith.cmpf olt, %get3A_160, %gather3A : vector<16xf32>
        %and3A_171 = arith.andi %eq3A_164, %lt3A : vector<16xi1>
        %and3A_172 = arith.constant 2047 : i32
        %and3A_173 = vector.broadcast %and3A_172 : i32 to vector<16xi32>
        %and3A_174 = arith.andi %and3A_167, %and3A_173 : vector<16xi32>
        tpu.vector_store_idx %arg12[%and3A_174], %iota3A masked %and3A_171 : memref<2048xi32, #tpu.memory_space<vmem>>[vector<16xi32>], vector<16xi32>, vector<16xi1>
        %gather3A_175 = tpu.vector_load_idx %arg12[%and3A_174] : memref<2048xi32, #tpu.memory_space<vmem>>[vector<16xi32>], vector<16xi32>,
        %eq3A_176 = arith.cmpi eq, %gather3A_175, %iota3A : vector<16xi32>
        %and3A_177 = arith.andi %and3A_171, %eq3A_176 : vector<16xi1>
        tpu.vector_store_idx %arg10[%and3A_167], %get3A_160 masked %and3A_177 : memref<32768xf32, #tpu.memory_space<vmem>>[vector<16xi32>], vector<16xf32>, vector<16xi1>
        tpu.vector_store_idx %arg11[%and3A_167], %add3A_170 masked %and3A_177 : memref<32768xi32, #tpu.memory_space<vmem>>[vector<16xi32>], vector<16xi32>, vector<16xi1>
        %xor3A = arith.xori %and3A_171, %and3A_177 : vector<16xi1>
        %or3A = arith.ori %scan3A_153, %xor3A : vector<16xi1>
        %mul3A_178 = arith.constant 2 : i32
        %mul3A_179 = arith.muli %scan3A_152, %mul3A_178 : i32
        %mul3A_180 = arith.constant 16 : i32
        %mul3A_181 = arith.muli %mul3A_179, %mul3A_180 : i32
        %add3A_182 = arith.constant 16 : i32
        %add3A_183 = arith.addi %mul3A_181, %add3A_182 : i32
        %get3A_184 = arith.index_cast %add3A_183 : i32 to index
        %get3A_185 = tpu.vector_load %arg8[%get3A_184] {strides = array<i32>} : memref<8192xi32, #tpu.memory_space<vmem>>, vector<16xi32>,
        %get3A_186 = arith.index_cast %add3A_183 : i32 to index
        %get3A_187 = tpu.vector_load %arg9[%get3A_186] {strides = array<i32>} : memref<8192xf32, #tpu.memory_space<vmem>>, vector<16xf32>,
        %shift_right_arithmetic3A_188 = arith.constant 15 : i32
        %shift_right_arithmetic3A_189 = vector.broadcast %shift_right_arithmetic3A_188 : i32 to vector<16xi32>
        %shift_right_arithmetic3A_190 = arith.shrsi %get3A_185, %shift_right_arithmetic3A_189 : vector<16xi32>
        %eq3A_191 = vector.broadcast %and3A_9 : i32 to vector<16xi32>
        %eq3A_192 = arith.cmpi eq, %shift_right_arithmetic3A_190, %eq3A_191 : vector<16xi32>
        %and3A_193 = arith.constant 32767 : i32
        %and3A_194 = vector.broadcast %and3A_193 : i32 to vector<16xi32>
        %and3A_195 = arith.andi %get3A_185, %and3A_194 : vector<16xi32>
        %add3A_196 = arith.addi %mul3A_136, %add3A_183 : i32
        %add3A_197 = vector.broadcast %add3A_196 : i32 to vector<16xi32>
        %add3A_198 = arith.addi %add3A_197, %iota3A : vector<16xi32>
        %gather3A_199 = tpu.vector_load_idx %arg10[%and3A_195] : memref<32768xf32, #tpu.memory_space<vmem>>[vector<16xi32>], vector<16xf32>,
        %lt3A_200 = arith.cmpf olt, %get3A_187, %gather3A_199 : vector<16xf32>
        %and3A_201 = arith.andi %eq3A_192, %lt3A_200 : vector<16xi1>
        %and3A_202 = arith.constant 2047 : i32
        %and3A_203 = vector.broadcast %and3A_202 : i32 to vector<16xi32>
        %and3A_204 = arith.andi %and3A_195, %and3A_203 : vector<16xi32>
        tpu.vector_store_idx %arg12[%and3A_204], %iota3A masked %and3A_201 : memref<2048xi32, #tpu.memory_space<vmem>>[vector<16xi32>], vector<16xi32>, vector<16xi1>
        %gather3A_205 = tpu.vector_load_idx %arg12[%and3A_204] : memref<2048xi32, #tpu.memory_space<vmem>>[vector<16xi32>], vector<16xi32>,
        %eq3A_206 = arith.cmpi eq, %gather3A_205, %iota3A : vector<16xi32>
        %and3A_207 = arith.andi %and3A_201, %eq3A_206 : vector<16xi1>
        tpu.vector_store_idx %arg10[%and3A_195], %get3A_187 masked %and3A_207 : memref<32768xf32, #tpu.memory_space<vmem>>[vector<16xi32>], vector<16xf32>, vector<16xi1>
        tpu.vector_store_idx %arg11[%and3A_195], %add3A_198 masked %and3A_207 : memref<32768xi32, #tpu.memory_space<vmem>>[vector<16xi32>], vector<16xi32>, vector<16xi1>
        %xor3A_208 = arith.xori %and3A_201, %and3A_207 : vector<16xi1>
        %or3A_209 = arith.ori %or3A, %xor3A_208 : vector<16xi1>
        scf.yield %or3A_209 : vector<16xi1>
      }
      %scan3A_150 = arith.constant 256 : i32
      %while3A = scf.while (%while3A_152 = %scan3A_149) : (vector<16xi1>) -> vector<16xi1> {
        %reduce_or3A = arith.constant 1.000000e+00 : f32
        %reduce_or3A_153 = arith.constant 0.000000e+00 : f32
        %reduce_or3A_154 = vector.broadcast %reduce_or3A : f32 to vector<16xf32>
        %reduce_or3A_155 = vector.broadcast %reduce_or3A_153 : f32 to vector<16xf32>
        %reduce_or3A_156 = arith.select %while3A_152, %reduce_or3A_154, %reduce_or3A_155 : vector<16xi1>, vector<16xf32>
        %reduce_or3A_157 = arith.constant true
        %reduce_or3A_158 = vector.broadcast %reduce_or3A_157 : i1 to vector<16xi1>
        %reduce_or3A_159 = tpu.scan <max>, %reduce_or3A_156 masked %reduce_or3A_158 : vector<16xf32>, vector<16xi1> -> vector<16xf32>
        %reduce_or3A_160 = vector.extract %reduce_or3A_159[15] : f32 from vector<16xf32>
        %reduce_or3A_161 = arith.constant 0.000000e+00 : f32
        %reduce_or3A_162 = arith.cmpf ogt, %reduce_or3A_160, %reduce_or3A_161 : f32
        scf.condition(%reduce_or3A_162) %while3A_152 : vector<16xi1>
      } do {
      ^bb0(%while3A_152: vector<16xi1>):
        %broadcast_in_dim3A_153 = arith.constant false
        %broadcast_in_dim3A_154 = vector.broadcast %broadcast_in_dim3A_153 : i1 to vector<16xi1>
        %scan3A_155 = arith.constant 0 : i32
        %scan3A_156 = arith.constant 256 : i32
        %scan3A_157 = arith.addi %scan3A_155, %scan3A_156 : i32
        %scan3A_158 = arith.constant 1 : i32
        %scan3A_159 = scf.for %scan3A_161 = %scan3A_155 to %scan3A_157 step %scan3A_158 iter_args(%scan3A_162 = %broadcast_in_dim3A_154) -> (vector<16xi1>)  : i32 {
          %mul3A_163 = arith.constant 2 : i32
          %mul3A_164 = arith.muli %scan3A_161, %mul3A_163 : i32
          %mul3A_165 = arith.constant 16 : i32
          %mul3A_166 = arith.muli %mul3A_164, %mul3A_165 : i32
          %get3A = arith.index_cast %mul3A_166 : i32 to index
          %get3A_167 = tpu.vector_load %arg8[%get3A] {strides = array<i32>} : memref<8192xi32, #tpu.memory_space<vmem>>, vector<16xi32>,
          %get3A_168 = arith.index_cast %mul3A_166 : i32 to index
          %get3A_169 = tpu.vector_load %arg9[%get3A_168] {strides = array<i32>} : memref<8192xf32, #tpu.memory_space<vmem>>, vector<16xf32>,
          %shift_right_arithmetic3A_170 = arith.constant 15 : i32
          %shift_right_arithmetic3A_171 = vector.broadcast %shift_right_arithmetic3A_170 : i32 to vector<16xi32>
          %shift_right_arithmetic3A_172 = arith.shrsi %get3A_167, %shift_right_arithmetic3A_171 : vector<16xi32>
          %eq3A = vector.broadcast %and3A_9 : i32 to vector<16xi32>
          %eq3A_173 = arith.cmpi eq, %shift_right_arithmetic3A_172, %eq3A : vector<16xi32>
          %and3A_174 = arith.constant 32767 : i32
          %and3A_175 = vector.broadcast %and3A_174 : i32 to vector<16xi32>
          %and3A_176 = arith.andi %get3A_167, %and3A_175 : vector<16xi32>
          %add3A_177 = arith.addi %mul3A_136, %mul3A_166 : i32
          %add3A_178 = vector.broadcast %add3A_177 : i32 to vector<16xi32>
          %add3A_179 = arith.addi %add3A_178, %iota3A : vector<16xi32>
          %gather3A = tpu.vector_load_idx %arg10[%and3A_176] : memref<32768xf32, #tpu.memory_space<vmem>>[vector<16xi32>], vector<16xf32>,
          %gather3A_180 = tpu.vector_load_idx %arg11[%and3A_176] : memref<32768xi32, #tpu.memory_space<vmem>>[vector<16xi32>], vector<16xi32>,
          %lt3A = arith.cmpf olt, %get3A_169, %gather3A : vector<16xf32>
          %eq3A_181 = arith.cmpf oeq, %get3A_169, %gather3A : vector<16xf32>
          %lt3A_182 = arith.cmpi slt, %add3A_179, %gather3A_180 : vector<16xi32>
          %and3A_183 = arith.andi %eq3A_181, %lt3A_182 : vector<16xi1>
          %or3A = arith.ori %lt3A, %and3A_183 : vector<16xi1>
          %and3A_184 = arith.andi %eq3A_173, %or3A : vector<16xi1>
          %and3A_185 = arith.constant 2047 : i32
          %and3A_186 = vector.broadcast %and3A_185 : i32 to vector<16xi32>
          %and3A_187 = arith.andi %and3A_176, %and3A_186 : vector<16xi32>
          tpu.vector_store_idx %arg12[%and3A_187], %iota3A masked %and3A_184 : memref<2048xi32, #tpu.memory_space<vmem>>[vector<16xi32>], vector<16xi32>, vector<16xi1>
          %gather3A_188 = tpu.vector_load_idx %arg12[%and3A_187] : memref<2048xi32, #tpu.memory_space<vmem>>[vector<16xi32>], vector<16xi32>,
          %eq3A_189 = arith.cmpi eq, %gather3A_188, %iota3A : vector<16xi32>
          %and3A_190 = arith.andi %and3A_184, %eq3A_189 : vector<16xi1>
          tpu.vector_store_idx %arg10[%and3A_176], %get3A_169 masked %and3A_190 : memref<32768xf32, #tpu.memory_space<vmem>>[vector<16xi32>], vector<16xf32>, vector<16xi1>
          tpu.vector_store_idx %arg11[%and3A_176], %add3A_179 masked %and3A_190 : memref<32768xi32, #tpu.memory_space<vmem>>[vector<16xi32>], vector<16xi32>, vector<16xi1>
          %xor3A = arith.xori %and3A_184, %and3A_190 : vector<16xi1>
          %or3A_191 = arith.ori %scan3A_162, %xor3A : vector<16xi1>
          %mul3A_192 = arith.constant 2 : i32
          %mul3A_193 = arith.muli %scan3A_161, %mul3A_192 : i32
          %mul3A_194 = arith.constant 16 : i32
          %mul3A_195 = arith.muli %mul3A_193, %mul3A_194 : i32
          %add3A_196 = arith.constant 16 : i32
          %add3A_197 = arith.addi %mul3A_195, %add3A_196 : i32
          %get3A_198 = arith.index_cast %add3A_197 : i32 to index
          %get3A_199 = tpu.vector_load %arg8[%get3A_198] {strides = array<i32>} : memref<8192xi32, #tpu.memory_space<vmem>>, vector<16xi32>,
          %get3A_200 = arith.index_cast %add3A_197 : i32 to index
          %get3A_201 = tpu.vector_load %arg9[%get3A_200] {strides = array<i32>} : memref<8192xf32, #tpu.memory_space<vmem>>, vector<16xf32>,
          %shift_right_arithmetic3A_202 = arith.constant 15 : i32
          %shift_right_arithmetic3A_203 = vector.broadcast %shift_right_arithmetic3A_202 : i32 to vector<16xi32>
          %shift_right_arithmetic3A_204 = arith.shrsi %get3A_199, %shift_right_arithmetic3A_203 : vector<16xi32>
          %eq3A_205 = vector.broadcast %and3A_9 : i32 to vector<16xi32>
          %eq3A_206 = arith.cmpi eq, %shift_right_arithmetic3A_204, %eq3A_205 : vector<16xi32>
          %and3A_207 = arith.constant 32767 : i32
          %and3A_208 = vector.broadcast %and3A_207 : i32 to vector<16xi32>
          %and3A_209 = arith.andi %get3A_199, %and3A_208 : vector<16xi32>
          %add3A_210 = arith.addi %mul3A_136, %add3A_197 : i32
          %add3A_211 = vector.broadcast %add3A_210 : i32 to vector<16xi32>
          %add3A_212 = arith.addi %add3A_211, %iota3A : vector<16xi32>
          %gather3A_213 = tpu.vector_load_idx %arg10[%and3A_209] : memref<32768xf32, #tpu.memory_space<vmem>>[vector<16xi32>], vector<16xf32>,
          %gather3A_214 = tpu.vector_load_idx %arg11[%and3A_209] : memref<32768xi32, #tpu.memory_space<vmem>>[vector<16xi32>], vector<16xi32>,
          %lt3A_215 = arith.cmpf olt, %get3A_201, %gather3A_213 : vector<16xf32>
          %eq3A_216 = arith.cmpf oeq, %get3A_201, %gather3A_213 : vector<16xf32>
          %lt3A_217 = arith.cmpi slt, %add3A_212, %gather3A_214 : vector<16xi32>
          %and3A_218 = arith.andi %eq3A_216, %lt3A_217 : vector<16xi1>
          %or3A_219 = arith.ori %lt3A_215, %and3A_218 : vector<16xi1>
          %and3A_220 = arith.andi %eq3A_206, %or3A_219 : vector<16xi1>
          %and3A_221 = arith.constant 2047 : i32
          %and3A_222 = vector.broadcast %and3A_221 : i32 to vector<16xi32>
          %and3A_223 = arith.andi %and3A_209, %and3A_222 : vector<16xi32>
          tpu.vector_store_idx %arg12[%and3A_223], %iota3A masked %and3A_220 : memref<2048xi32, #tpu.memory_space<vmem>>[vector<16xi32>], vector<16xi32>, vector<16xi1>
          %gather3A_224 = tpu.vector_load_idx %arg12[%and3A_223] : memref<2048xi32, #tpu.memory_space<vmem>>[vector<16xi32>], vector<16xi32>,
          %eq3A_225 = arith.cmpi eq, %gather3A_224, %iota3A : vector<16xi32>
          %and3A_226 = arith.andi %and3A_220, %eq3A_225 : vector<16xi1>
          tpu.vector_store_idx %arg10[%and3A_209], %get3A_201 masked %and3A_226 : memref<32768xf32, #tpu.memory_space<vmem>>[vector<16xi32>], vector<16xf32>, vector<16xi1>
          tpu.vector_store_idx %arg11[%and3A_209], %add3A_212 masked %and3A_226 : memref<32768xi32, #tpu.memory_space<vmem>>[vector<16xi32>], vector<16xi32>, vector<16xi1>
          %xor3A_227 = arith.xori %and3A_220, %and3A_226 : vector<16xi1>
          %or3A_228 = arith.ori %or3A_191, %xor3A_227 : vector<16xi1>
          scf.yield %or3A_228 : vector<16xi1>
        }
        %scan3A_160 = arith.constant 256 : i32
        scf.yield %scan3A_159 : vector<16xi1>
      }
      %scan3A_151 = arith.constant 0 : i32
      scf.yield %scan3A_151 : i32
    }
    %scan3A_30 = arith.constant 16 : i32
    %scan3A_31 = arith.constant 0 : i32
    %scan3A_32 = arith.constant 0 : i32
    %scan3A_33 = arith.constant 2048 : i32
    %scan3A_34 = arith.addi %scan3A_32, %scan3A_33 : i32
    %scan3A_35 = arith.constant 1 : i32
    %scan3A_36 = scf.for %scan3A_133 = %scan3A_32 to %scan3A_34 step %scan3A_35 iter_args(%scan3A_134 = %scan3A_31) -> (i32)  : i32 {
      %mul3A_135 = arith.constant 16 : i32
      %mul3A_136 = arith.muli %scan3A_133, %mul3A_135 : i32
      %get3A = arith.index_cast %mul3A_136 : i32 to index
      %get3A_137 = tpu.vector_load %arg11[%get3A] {strides = array<i32>} : memref<32768xi32, #tpu.memory_space<vmem>>, vector<16xi32>,
      %get3A_138 = arith.index_cast %mul3A_136 : i32 to index
      %get3A_139 = tpu.vector_load %arg10[%get3A_138] {strides = array<i32>} : memref<32768xf32, #tpu.memory_space<vmem>>, vector<16xf32>,
      %lt3A = arith.constant 131072 : i32
      %lt3A_140 = vector.broadcast %lt3A : i32 to vector<16xi32>
      %lt3A_141 = arith.cmpi slt, %get3A_137, %lt3A_140 : vector<16xi32>
      %jit3A = arith.constant -1 : i32
      %broadcast_in_dim3A_142 = vector.broadcast %jit3A : i32 to vector<16xi32>
      %select_n3A = arith.select %lt3A_141, %get3A_137, %broadcast_in_dim3A_142 : vector<16xi1>, vector<16xi32>
      %swap3A = arith.index_cast %mul3A_136 : i32 to index
      %swap3A_143 = tpu.vector_load %arg11[%swap3A] {strides = array<i32>} : memref<32768xi32, #tpu.memory_space<vmem>>, vector<16xi32>,
      tpu.vector_store %arg11[%swap3A], %select_n3A {strides = array<i32>} : memref<32768xi32, #tpu.memory_space<vmem>>, vector<16xi32>,
      %jit3A_144 = arith.constant 0.000000e+00 : f32
      %broadcast_in_dim3A_145 = vector.broadcast %jit3A_144 : f32 to vector<16xf32>
      %select_n3A_146 = arith.select %lt3A_141, %get3A_139, %broadcast_in_dim3A_145 : vector<16xi1>, vector<16xf32>
      %swap3A_147 = arith.index_cast %mul3A_136 : i32 to index
      %swap3A_148 = tpu.vector_load %arg10[%swap3A_147] {strides = array<i32>} : memref<32768xf32, #tpu.memory_space<vmem>>, vector<16xf32>,
      tpu.vector_store %arg10[%swap3A_147], %select_n3A_146 {strides = array<i32>} : memref<32768xf32, #tpu.memory_space<vmem>>, vector<16xf32>,
      %swap3A_149 = arith.index_cast %mul3A_136 : i32 to index
      %swap3A_150 = tpu.vector_load %arg14[%swap3A_149] {strides = array<i32>} : memref<32768xf32, #tpu.memory_space<vmem>>, vector<16xf32>,
      tpu.vector_store %arg14[%swap3A_149], %broadcast_in_dim3A_3 {strides = array<i32>} : memref<32768xf32, #tpu.memory_space<vmem>>, vector<16xf32>,
      %scan3A_151 = arith.constant 0 : i32
      scf.yield %scan3A_151 : i32
    }
    %scan3A_37 = arith.constant 2048 : i32
    %mul3A_38 = arith.constant 8 : i32
    %mul3A_39 = arith.muli %shift_right_arithmetic3A_8, %mul3A_38 : i32
    %add3A_40 = arith.addi %mul3A_39, %and3A_9 : i32
    %mul3A_41 = arith.constant 32768 : i32
    %mul3A_42 = arith.muli %add3A_40, %mul3A_41 : i32
    "tpu.region"() ({
      %run_scoped3A = tpu.sem_alloc : memref<!tpu.dma_semaphore, #tpu.memory_space<semaphore_mem>>
      %dma_start3A = tpu.memref_slice %arg5[%mul3A_42] : memref<2097152xf32, #tpu.memory_space<hbm>> -> memref<32768xf32, #tpu.memory_space<hbm>>
      %dma_start3A_133 = tpu.memref_slice %arg5[%mul3A_42] : memref<2097152xf32, #tpu.memory_space<hbm>> -> memref<32768xf32, #tpu.memory_space<hbm>>
      tpu.enqueue_dma source(%arg10 : memref<32768xf32, #tpu.memory_space<vmem>>) target(%dma_start3A_133 : memref<32768xf32, #tpu.memory_space<hbm>>) target_semaphore(%run_scoped3A : memref<!tpu.dma_semaphore, #tpu.memory_space<semaphore_mem>>)
      %dma_wait3A = tpu.memref_slice %arg5[%mul3A_42] : memref<2097152xf32, #tpu.memory_space<hbm>> -> memref<32768xf32, #tpu.memory_space<hbm>>
      %dma_wait3A_134 = tpu.memref_slice %arg5[%mul3A_42] : memref<2097152xf32, #tpu.memory_space<hbm>> -> memref<32768xf32, #tpu.memory_space<hbm>>
      tpu.wait_dma2 semaphore(%run_scoped3A : memref<!tpu.dma_semaphore, #tpu.memory_space<semaphore_mem>>) src(%arg10 : memref<32768xf32, #tpu.memory_space<vmem>>) dst(%dma_wait3A_134 : memref<32768xf32, #tpu.memory_space<hbm>>)
      tpu.yield
    }) : () -> ()
    "tpu.region"() ({
      %run_scoped3A = tpu.sem_alloc : memref<!tpu.dma_semaphore, #tpu.memory_space<semaphore_mem>>
      %dma_start3A = tpu.memref_slice %arg7[%mul3A_42] : memref<2097152xi32, #tpu.memory_space<hbm>> -> memref<32768xi32, #tpu.memory_space<hbm>>
      %dma_start3A_133 = tpu.memref_slice %arg7[%mul3A_42] : memref<2097152xi32, #tpu.memory_space<hbm>> -> memref<32768xi32, #tpu.memory_space<hbm>>
      tpu.enqueue_dma source(%arg11 : memref<32768xi32, #tpu.memory_space<vmem>>) target(%dma_start3A_133 : memref<32768xi32, #tpu.memory_space<hbm>>) target_semaphore(%run_scoped3A : memref<!tpu.dma_semaphore, #tpu.memory_space<semaphore_mem>>)
      %dma_wait3A = tpu.memref_slice %arg7[%mul3A_42] : memref<2097152xi32, #tpu.memory_space<hbm>> -> memref<32768xi32, #tpu.memory_space<hbm>>
      %dma_wait3A_134 = tpu.memref_slice %arg7[%mul3A_42] : memref<2097152xi32, #tpu.memory_space<hbm>> -> memref<32768xi32, #tpu.memory_space<hbm>>
      tpu.wait_dma2 semaphore(%run_scoped3A : memref<!tpu.dma_semaphore, #tpu.memory_space<semaphore_mem>>) src(%arg11 : memref<32768xi32, #tpu.memory_space<vmem>>) dst(%dma_wait3A_134 : memref<32768xi32, #tpu.memory_space<hbm>>)
      tpu.yield
    }) : () -> ()
    %scan3A_43 = arith.constant 0 : i32
    %scan3A_44 = arith.constant 0 : i32
    %scan3A_45 = arith.constant 16 : i32
    %scan3A_46 = arith.addi %scan3A_44, %scan3A_45 : i32
    %scan3A_47 = arith.constant 1 : i32
    %scan3A_48 = scf.for %scan3A_133 = %scan3A_44 to %scan3A_46 step %scan3A_47 iter_args(%scan3A_134 = %scan3A_43) -> (i32)  : i32 {
      %mul3A_135 = arith.constant 8192 : i32
      %mul3A_136 = arith.muli %scan3A_133, %mul3A_135 : i32
      %mul3A_137 = arith.constant 131072 : i32
      %mul3A_138 = arith.muli %shift_right_arithmetic3A_8, %mul3A_137 : i32
      %add3A_139 = arith.addi %mul3A_138, %mul3A_136 : i32
      "tpu.region"() ({
        %run_scoped3A = tpu.sem_alloc : memref<!tpu.dma_semaphore, #tpu.memory_space<semaphore_mem>>
        %dma_start3A = tpu.memref_slice %arg3[%add3A_139] : memref<1048576xi32, #tpu.memory_space<hbm>> -> memref<8192xi32, #tpu.memory_space<hbm>>
        %dma_start3A_152 = tpu.memref_slice %arg3[%add3A_139] : memref<1048576xi32, #tpu.memory_space<hbm>> -> memref<8192xi32, #tpu.memory_space<hbm>>
        tpu.enqueue_dma source(%dma_start3A_152 : memref<8192xi32, #tpu.memory_space<hbm>>) target(%arg8 : memref<8192xi32, #tpu.memory_space<vmem>>) target_semaphore(%run_scoped3A : memref<!tpu.dma_semaphore, #tpu.memory_space<semaphore_mem>>)
        %dma_wait3A = tpu.memref_slice %arg3[%add3A_139] : memref<1048576xi32, #tpu.memory_space<hbm>> -> memref<8192xi32, #tpu.memory_space<hbm>>
        %dma_wait3A_153 = tpu.memref_slice %arg3[%add3A_139] : memref<1048576xi32, #tpu.memory_space<hbm>> -> memref<8192xi32, #tpu.memory_space<hbm>>
        tpu.wait_dma2 semaphore(%run_scoped3A : memref<!tpu.dma_semaphore, #tpu.memory_space<semaphore_mem>>) src(%dma_wait3A_153 : memref<8192xi32, #tpu.memory_space<hbm>>) dst(%arg8 : memref<8192xi32, #tpu.memory_space<vmem>>)
        tpu.yield
      }) : () -> ()
      %add3A_140 = arith.addi %mul3A_17, %mul3A_136 : i32
      "tpu.region"() ({
        %run_scoped3A = tpu.sem_alloc : memref<!tpu.dma_semaphore, #tpu.memory_space<semaphore_mem>>
        %dma_start3A = tpu.memref_slice %arg4[%add3A_140] : memref<3145728xf32, #tpu.memory_space<hbm>> -> memref<8192xf32, #tpu.memory_space<hbm>>
        %dma_start3A_152 = tpu.memref_slice %arg4[%add3A_140] : memref<3145728xf32, #tpu.memory_space<hbm>> -> memref<8192xf32, #tpu.memory_space<hbm>>
        tpu.enqueue_dma source(%dma_start3A_152 : memref<8192xf32, #tpu.memory_space<hbm>>) target(%arg9 : memref<8192xf32, #tpu.memory_space<vmem>>) target_semaphore(%run_scoped3A : memref<!tpu.dma_semaphore, #tpu.memory_space<semaphore_mem>>)
        %dma_wait3A = tpu.memref_slice %arg4[%add3A_140] : memref<3145728xf32, #tpu.memory_space<hbm>> -> memref<8192xf32, #tpu.memory_space<hbm>>
        %dma_wait3A_153 = tpu.memref_slice %arg4[%add3A_140] : memref<3145728xf32, #tpu.memory_space<hbm>> -> memref<8192xf32, #tpu.memory_space<hbm>>
        tpu.wait_dma2 semaphore(%run_scoped3A : memref<!tpu.dma_semaphore, #tpu.memory_space<semaphore_mem>>) src(%dma_wait3A_153 : memref<8192xf32, #tpu.memory_space<hbm>>) dst(%arg9 : memref<8192xf32, #tpu.memory_space<vmem>>)
        tpu.yield
      }) : () -> ()
      %add3A_141 = arith.constant 131072 : i32
      %add3A_142 = arith.addi %mul3A_17, %add3A_141 : i32
      %add3A_143 = arith.addi %add3A_142, %mul3A_136 : i32
      "tpu.region"() ({
        %run_scoped3A = tpu.sem_alloc : memref<!tpu.dma_semaphore, #tpu.memory_space<semaphore_mem>>
        %dma_start3A = tpu.memref_slice %arg4[%add3A_143] : memref<3145728xf32, #tpu.memory_space<hbm>> -> memref<8192xf32, #tpu.memory_space<hbm>>
        %dma_start3A_152 = tpu.memref_slice %arg4[%add3A_143] : memref<3145728xf32, #tpu.memory_space<hbm>> -> memref<8192xf32, #tpu.memory_space<hbm>>
        tpu.enqueue_dma source(%dma_start3A_152 : memref<8192xf32, #tpu.memory_space<hbm>>) target(%arg13 : memref<8192xf32, #tpu.memory_space<vmem>>) target_semaphore(%run_scoped3A : memref<!tpu.dma_semaphore, #tpu.memory_space<semaphore_mem>>)
        %dma_wait3A = tpu.memref_slice %arg4[%add3A_143] : memref<3145728xf32, #tpu.memory_space<hbm>> -> memref<8192xf32, #tpu.memory_space<hbm>>
        %dma_wait3A_153 = tpu.memref_slice %arg4[%add3A_143] : memref<3145728xf32, #tpu.memory_space<hbm>> -> memref<8192xf32, #tpu.memory_space<hbm>>
        tpu.wait_dma2 semaphore(%run_scoped3A : memref<!tpu.dma_semaphore, #tpu.memory_space<semaphore_mem>>) src(%dma_wait3A_153 : memref<8192xf32, #tpu.memory_space<hbm>>) dst(%arg13 : memref<8192xf32, #tpu.memory_space<vmem>>)
        tpu.yield
      }) : () -> ()
      %scan3A_144 = arith.constant 0 : i32
      %scan3A_145 = arith.constant 0 : i32
      %scan3A_146 = arith.constant 256 : i32
      %scan3A_147 = arith.addi %scan3A_145, %scan3A_146 : i32
      %scan3A_148 = arith.constant 1 : i32
      %scan3A_149 = scf.for %scan3A_152 = %scan3A_145 to %scan3A_147 step %scan3A_148 iter_args(%scan3A_153 = %scan3A_144) -> (i32)  : i32 {
        %mul3A_154 = arith.constant 2 : i32
        %mul3A_155 = arith.muli %scan3A_152, %mul3A_154 : i32
        %mul3A_156 = arith.constant 16 : i32
        %mul3A_157 = arith.muli %mul3A_155, %mul3A_156 : i32
        %get3A = arith.index_cast %mul3A_157 : i32 to index
        %get3A_158 = tpu.vector_load %arg8[%get3A] {strides = array<i32>} : memref<8192xi32, #tpu.memory_space<vmem>>, vector<16xi32>,
        %shift_right_arithmetic3A_159 = arith.constant 15 : i32
        %shift_right_arithmetic3A_160 = vector.broadcast %shift_right_arithmetic3A_159 : i32 to vector<16xi32>
        %shift_right_arithmetic3A_161 = arith.shrsi %get3A_158, %shift_right_arithmetic3A_160 : vector<16xi32>
        %eq3A = vector.broadcast %and3A_9 : i32 to vector<16xi32>
        %eq3A_162 = arith.cmpi eq, %shift_right_arithmetic3A_161, %eq3A : vector<16xi32>
        %and3A_163 = arith.constant 32767 : i32
        %and3A_164 = vector.broadcast %and3A_163 : i32 to vector<16xi32>
        %and3A_165 = arith.andi %get3A_158, %and3A_164 : vector<16xi32>
        %add3A_166 = arith.addi %mul3A_136, %mul3A_157 : i32
        %add3A_167 = vector.broadcast %add3A_166 : i32 to vector<16xi32>
        %add3A_168 = arith.addi %add3A_167, %iota3A : vector<16xi32>
        %gather3A = tpu.vector_load_idx %arg11[%and3A_165] : memref<32768xi32, #tpu.memory_space<vmem>>[vector<16xi32>], vector<16xi32>,
        %eq3A_169 = arith.cmpi eq, %gather3A, %add3A_168 : vector<16xi32>
        %and3A_170 = arith.andi %eq3A_162, %eq3A_169 : vector<16xi1>
        %get3A_171 = arith.index_cast %mul3A_157 : i32 to index
        %get3A_172 = tpu.vector_load %arg9[%get3A_171] {strides = array<i32>} : memref<8192xf32, #tpu.memory_space<vmem>>, vector<16xf32>,
        tpu.vector_store_idx %arg10[%and3A_165], %get3A_172 masked %and3A_170 : memref<32768xf32, #tpu.memory_space<vmem>>[vector<16xi32>], vector<16xf32>, vector<16xi1>
        %get3A_173 = arith.index_cast %mul3A_157 : i32 to index
        %get3A_174 = tpu.vector_load %arg13[%get3A_173] {strides = array<i32>} : memref<8192xf32, #tpu.memory_space<vmem>>, vector<16xf32>,
        tpu.vector_store_idx %arg14[%and3A_165], %get3A_174 masked %and3A_170 : memref<32768xf32, #tpu.memory_space<vmem>>[vector<16xi32>], vector<16xf32>, vector<16xi1>
        %mul3A_175 = arith.constant 2 : i32
        %mul3A_176 = arith.muli %scan3A_152, %mul3A_175 : i32
        %mul3A_177 = arith.constant 16 : i32
        %mul3A_178 = arith.muli %mul3A_176, %mul3A_177 : i32
        %add3A_179 = arith.constant 16 : i32
        %add3A_180 = arith.addi %mul3A_178, %add3A_179 : i32
        %get3A_181 = arith.index_cast %add3A_180 : i32 to index
        %get3A_182 = tpu.vector_load %arg8[%get3A_181] {strides = array<i32>} : memref<8192xi32, #tpu.memory_space<vmem>>, vector<16xi32>,
        %shift_right_arithmetic3A_183 = arith.constant 15 : i32
        %shift_right_arithmetic3A_184 = vector.broadcast %shift_right_arithmetic3A_183 : i32 to vector<16xi32>
        %shift_right_arithmetic3A_185 = arith.shrsi %get3A_182, %shift_right_arithmetic3A_184 : vector<16xi32>
        %eq3A_186 = vector.broadcast %and3A_9 : i32 to vector<16xi32>
        %eq3A_187 = arith.cmpi eq, %shift_right_arithmetic3A_185, %eq3A_186 : vector<16xi32>
        %and3A_188 = arith.constant 32767 : i32
        %and3A_189 = vector.broadcast %and3A_188 : i32 to vector<16xi32>
        %and3A_190 = arith.andi %get3A_182, %and3A_189 : vector<16xi32>
        %add3A_191 = arith.addi %mul3A_136, %add3A_180 : i32
        %add3A_192 = vector.broadcast %add3A_191 : i32 to vector<16xi32>
        %add3A_193 = arith.addi %add3A_192, %iota3A : vector<16xi32>
        %gather3A_194 = tpu.vector_load_idx %arg11[%and3A_190] : memref<32768xi32, #tpu.memory_space<vmem>>[vector<16xi32>], vector<16xi32>,
        %eq3A_195 = arith.cmpi eq, %gather3A_194, %add3A_193 : vector<16xi32>
        %and3A_196 = arith.andi %eq3A_187, %eq3A_195 : vector<16xi1>
        %get3A_197 = arith.index_cast %add3A_180 : i32 to index
        %get3A_198 = tpu.vector_load %arg9[%get3A_197] {strides = array<i32>} : memref<8192xf32, #tpu.memory_space<vmem>>, vector<16xf32>,
        tpu.vector_store_idx %arg10[%and3A_190], %get3A_198 masked %and3A_196 : memref<32768xf32, #tpu.memory_space<vmem>>[vector<16xi32>], vector<16xf32>, vector<16xi1>
        %get3A_199 = arith.index_cast %add3A_180 : i32 to index
        %get3A_200 = tpu.vector_load %arg13[%get3A_199] {strides = array<i32>} : memref<8192xf32, #tpu.memory_space<vmem>>, vector<16xf32>,
        tpu.vector_store_idx %arg14[%and3A_190], %get3A_200 masked %and3A_196 : memref<32768xf32, #tpu.memory_space<vmem>>[vector<16xi32>], vector<16xf32>, vector<16xi1>
        %scan3A_201 = arith.constant 0 : i32
        scf.yield %scan3A_201 : i32
      }
      %scan3A_150 = arith.constant 256 : i32
      %scan3A_151 = arith.constant 0 : i32
      scf.yield %scan3A_151 : i32
    }
    %scan3A_49 = arith.constant 16 : i32
    %mul3A_50 = arith.constant 3 : i32
    %mul3A_51 = arith.muli %shift_right_arithmetic3A_8, %mul3A_50 : i32
    %mul3A_52 = arith.constant 8 : i32
    %mul3A_53 = arith.muli %mul3A_51, %mul3A_52 : i32
    %add3A_54 = arith.addi %mul3A_53, %and3A_9 : i32
    %mul3A_55 = arith.constant 32768 : i32
    %mul3A_56 = arith.muli %add3A_54, %mul3A_55 : i32
    "tpu.region"() ({
      %run_scoped3A = tpu.sem_alloc : memref<!tpu.dma_semaphore, #tpu.memory_space<semaphore_mem>>
      %dma_start3A = tpu.memref_slice %arg6[%mul3A_56] : memref<6291456xf32, #tpu.memory_space<hbm>> -> memref<32768xf32, #tpu.memory_space<hbm>>
      %dma_start3A_133 = tpu.memref_slice %arg6[%mul3A_56] : memref<6291456xf32, #tpu.memory_space<hbm>> -> memref<32768xf32, #tpu.memory_space<hbm>>
      tpu.enqueue_dma source(%arg10 : memref<32768xf32, #tpu.memory_space<vmem>>) target(%dma_start3A_133 : memref<32768xf32, #tpu.memory_space<hbm>>) target_semaphore(%run_scoped3A : memref<!tpu.dma_semaphore, #tpu.memory_space<semaphore_mem>>)
      %dma_wait3A = tpu.memref_slice %arg6[%mul3A_56] : memref<6291456xf32, #tpu.memory_space<hbm>> -> memref<32768xf32, #tpu.memory_space<hbm>>
      %dma_wait3A_134 = tpu.memref_slice %arg6[%mul3A_56] : memref<6291456xf32, #tpu.memory_space<hbm>> -> memref<32768xf32, #tpu.memory_space<hbm>>
      tpu.wait_dma2 semaphore(%run_scoped3A : memref<!tpu.dma_semaphore, #tpu.memory_space<semaphore_mem>>) src(%arg10 : memref<32768xf32, #tpu.memory_space<vmem>>) dst(%dma_wait3A_134 : memref<32768xf32, #tpu.memory_space<hbm>>)
      tpu.yield
    }) : () -> ()
    %add3A_57 = arith.constant 262144 : i32
    %add3A_58 = arith.addi %mul3A_56, %add3A_57 : i32
    "tpu.region"() ({
      %run_scoped3A = tpu.sem_alloc : memref<!tpu.dma_semaphore, #tpu.memory_space<semaphore_mem>>
      %dma_start3A = tpu.memref_slice %arg6[%add3A_58] : memref<6291456xf32, #tpu.memory_space<hbm>> -> memref<32768xf32, #tpu.memory_space<hbm>>
      %dma_start3A_133 = tpu.memref_slice %arg6[%add3A_58] : memref<6291456xf32, #tpu.memory_space<hbm>> -> memref<32768xf32, #tpu.memory_space<hbm>>
      tpu.enqueue_dma source(%arg14 : memref<32768xf32, #tpu.memory_space<vmem>>) target(%dma_start3A_133 : memref<32768xf32, #tpu.memory_space<hbm>>) target_semaphore(%run_scoped3A : memref<!tpu.dma_semaphore, #tpu.memory_space<semaphore_mem>>)
      %dma_wait3A = tpu.memref_slice %arg6[%add3A_58] : memref<6291456xf32, #tpu.memory_space<hbm>> -> memref<32768xf32, #tpu.memory_space<hbm>>
      %dma_wait3A_134 = tpu.memref_slice %arg6[%add3A_58] : memref<6291456xf32, #tpu.memory_space<hbm>> -> memref<32768xf32, #tpu.memory_space<hbm>>
      tpu.wait_dma2 semaphore(%run_scoped3A : memref<!tpu.dma_semaphore, #tpu.memory_space<semaphore_mem>>) src(%arg14 : memref<32768xf32, #tpu.memory_space<vmem>>) dst(%dma_wait3A_134 : memref<32768xf32, #tpu.memory_space<hbm>>)
      tpu.yield
    }) : () -> ()
    %scan3A_59 = arith.constant 0 : i32
    %scan3A_60 = arith.constant 0 : i32
    %scan3A_61 = arith.constant 16 : i32
    %scan3A_62 = arith.addi %scan3A_60, %scan3A_61 : i32
    %scan3A_63 = arith.constant 1 : i32
    %scan3A_64 = scf.for %scan3A_133 = %scan3A_60 to %scan3A_62 step %scan3A_63 iter_args(%scan3A_134 = %scan3A_59) -> (i32)  : i32 {
      %mul3A_135 = arith.constant 8192 : i32
      %mul3A_136 = arith.muli %scan3A_133, %mul3A_135 : i32
      %mul3A_137 = arith.constant 131072 : i32
      %mul3A_138 = arith.muli %shift_right_arithmetic3A_8, %mul3A_137 : i32
      %add3A_139 = arith.addi %mul3A_138, %mul3A_136 : i32
      "tpu.region"() ({
        %run_scoped3A = tpu.sem_alloc : memref<!tpu.dma_semaphore, #tpu.memory_space<semaphore_mem>>
        %dma_start3A = tpu.memref_slice %arg3[%add3A_139] : memref<1048576xi32, #tpu.memory_space<hbm>> -> memref<8192xi32, #tpu.memory_space<hbm>>
        %dma_start3A_151 = tpu.memref_slice %arg3[%add3A_139] : memref<1048576xi32, #tpu.memory_space<hbm>> -> memref<8192xi32, #tpu.memory_space<hbm>>
        tpu.enqueue_dma source(%dma_start3A_151 : memref<8192xi32, #tpu.memory_space<hbm>>) target(%arg8 : memref<8192xi32, #tpu.memory_space<vmem>>) target_semaphore(%run_scoped3A : memref<!tpu.dma_semaphore, #tpu.memory_space<semaphore_mem>>)
        %dma_wait3A = tpu.memref_slice %arg3[%add3A_139] : memref<1048576xi32, #tpu.memory_space<hbm>> -> memref<8192xi32, #tpu.memory_space<hbm>>
        %dma_wait3A_152 = tpu.memref_slice %arg3[%add3A_139] : memref<1048576xi32, #tpu.memory_space<hbm>> -> memref<8192xi32, #tpu.memory_space<hbm>>
        tpu.wait_dma2 semaphore(%run_scoped3A : memref<!tpu.dma_semaphore, #tpu.memory_space<semaphore_mem>>) src(%dma_wait3A_152 : memref<8192xi32, #tpu.memory_space<hbm>>) dst(%arg8 : memref<8192xi32, #tpu.memory_space<vmem>>)
        tpu.yield
      }) : () -> ()
      %add3A_140 = arith.constant 262144 : i32
      %add3A_141 = arith.addi %mul3A_17, %add3A_140 : i32
      %add3A_142 = arith.addi %add3A_141, %mul3A_136 : i32
      "tpu.region"() ({
        %run_scoped3A = tpu.sem_alloc : memref<!tpu.dma_semaphore, #tpu.memory_space<semaphore_mem>>
        %dma_start3A = tpu.memref_slice %arg4[%add3A_142] : memref<3145728xf32, #tpu.memory_space<hbm>> -> memref<8192xf32, #tpu.memory_space<hbm>>
        %dma_start3A_151 = tpu.memref_slice %arg4[%add3A_142] : memref<3145728xf32, #tpu.memory_space<hbm>> -> memref<8192xf32, #tpu.memory_space<hbm>>
        tpu.enqueue_dma source(%dma_start3A_151 : memref<8192xf32, #tpu.memory_space<hbm>>) target(%arg9 : memref<8192xf32, #tpu.memory_space<vmem>>) target_semaphore(%run_scoped3A : memref<!tpu.dma_semaphore, #tpu.memory_space<semaphore_mem>>)
        %dma_wait3A = tpu.memref_slice %arg4[%add3A_142] : memref<3145728xf32, #tpu.memory_space<hbm>> -> memref<8192xf32, #tpu.memory_space<hbm>>
        %dma_wait3A_152 = tpu.memref_slice %arg4[%add3A_142] : memref<3145728xf32, #tpu.memory_space<hbm>> -> memref<8192xf32, #tpu.memory_space<hbm>>
        tpu.wait_dma2 semaphore(%run_scoped3A : memref<!tpu.dma_semaphore, #tpu.memory_space<semaphore_mem>>) src(%dma_wait3A_152 : memref<8192xf32, #tpu.memory_space<hbm>>) dst(%arg9 : memref<8192xf32, #tpu.memory_space<vmem>>)
        tpu.yield
      }) : () -> ()
      %scan3A_143 = arith.constant 0 : i32
      %scan3A_144 = arith.constant 0 : i32
      %scan3A_145 = arith.constant 256 : i32
      %scan3A_146 = arith.addi %scan3A_144, %scan3A_145 : i32
      %scan3A_147 = arith.constant 1 : i32
      %scan3A_148 = scf.for %scan3A_151 = %scan3A_144 to %scan3A_146 step %scan3A_147 iter_args(%scan3A_152 = %scan3A_143) -> (i32)  : i32 {
        %mul3A_153 = arith.constant 2 : i32
        %mul3A_154 = arith.muli %scan3A_151, %mul3A_153 : i32
        %mul3A_155 = arith.constant 16 : i32
        %mul3A_156 = arith.muli %mul3A_154, %mul3A_155 : i32
        %get3A = arith.index_cast %mul3A_156 : i32 to index
        %get3A_157 = tpu.vector_load %arg8[%get3A] {strides = array<i32>} : memref<8192xi32, #tpu.memory_space<vmem>>, vector<16xi32>,
        %get3A_158 = arith.index_cast %mul3A_156 : i32 to index
        %get3A_159 = tpu.vector_load %arg9[%get3A_158] {strides = array<i32>} : memref<8192xf32, #tpu.memory_space<vmem>>, vector<16xf32>,
        %shift_right_arithmetic3A_160 = arith.constant 15 : i32
        %shift_right_arithmetic3A_161 = vector.broadcast %shift_right_arithmetic3A_160 : i32 to vector<16xi32>
        %shift_right_arithmetic3A_162 = arith.shrsi %get3A_157, %shift_right_arithmetic3A_161 : vector<16xi32>
        %eq3A = vector.broadcast %and3A_9 : i32 to vector<16xi32>
        %eq3A_163 = arith.cmpi eq, %shift_right_arithmetic3A_162, %eq3A : vector<16xi32>
        %and3A_164 = arith.constant 32767 : i32
        %and3A_165 = vector.broadcast %and3A_164 : i32 to vector<16xi32>
        %and3A_166 = arith.andi %get3A_157, %and3A_165 : vector<16xi32>
        %add3A_167 = arith.addi %mul3A_136, %mul3A_156 : i32
        %add3A_168 = vector.broadcast %add3A_167 : i32 to vector<16xi32>
        %add3A_169 = arith.addi %add3A_168, %iota3A : vector<16xi32>
        %gather3A = tpu.vector_load_idx %arg11[%and3A_166] : memref<32768xi32, #tpu.memory_space<vmem>>[vector<16xi32>], vector<16xi32>,
        %eq3A_170 = arith.cmpi eq, %gather3A, %add3A_169 : vector<16xi32>
        %and3A_171 = arith.andi %eq3A_163, %eq3A_170 : vector<16xi1>
        tpu.vector_store_idx %arg10[%and3A_166], %get3A_159 masked %and3A_171 : memref<32768xf32, #tpu.memory_space<vmem>>[vector<16xi32>], vector<16xf32>, vector<16xi1>
        %mul3A_172 = arith.constant 2 : i32
        %mul3A_173 = arith.muli %scan3A_151, %mul3A_172 : i32
        %mul3A_174 = arith.constant 16 : i32
        %mul3A_175 = arith.muli %mul3A_173, %mul3A_174 : i32
        %add3A_176 = arith.constant 16 : i32
        %add3A_177 = arith.addi %mul3A_175, %add3A_176 : i32
        %get3A_178 = arith.index_cast %add3A_177 : i32 to index
        %get3A_179 = tpu.vector_load %arg8[%get3A_178] {strides = array<i32>} : memref<8192xi32, #tpu.memory_space<vmem>>, vector<16xi32>,
        %get3A_180 = arith.index_cast %add3A_177 : i32 to index
        %get3A_181 = tpu.vector_load %arg9[%get3A_180] {strides = array<i32>} : memref<8192xf32, #tpu.memory_space<vmem>>, vector<16xf32>,
        %shift_right_arithmetic3A_182 = arith.constant 15 : i32
        %shift_right_arithmetic3A_183 = vector.broadcast %shift_right_arithmetic3A_182 : i32 to vector<16xi32>
        %shift_right_arithmetic3A_184 = arith.shrsi %get3A_179, %shift_right_arithmetic3A_183 : vector<16xi32>
        %eq3A_185 = vector.broadcast %and3A_9 : i32 to vector<16xi32>
        %eq3A_186 = arith.cmpi eq, %shift_right_arithmetic3A_184, %eq3A_185 : vector<16xi32>
        %and3A_187 = arith.constant 32767 : i32
        %and3A_188 = vector.broadcast %and3A_187 : i32 to vector<16xi32>
        %and3A_189 = arith.andi %get3A_179, %and3A_188 : vector<16xi32>
        %add3A_190 = arith.addi %mul3A_136, %add3A_177 : i32
        %add3A_191 = vector.broadcast %add3A_190 : i32 to vector<16xi32>
        %add3A_192 = arith.addi %add3A_191, %iota3A : vector<16xi32>
        %gather3A_193 = tpu.vector_load_idx %arg11[%and3A_189] : memref<32768xi32, #tpu.memory_space<vmem>>[vector<16xi32>], vector<16xi32>,
        %eq3A_194 = arith.cmpi eq, %gather3A_193, %add3A_192 : vector<16xi32>
        %and3A_195 = arith.andi %eq3A_186, %eq3A_194 : vector<16xi1>
        tpu.vector_store_idx %arg10[%and3A_189], %get3A_181 masked %and3A_195 : memref<32768xf32, #tpu.memory_space<vmem>>[vector<16xi32>], vector<16xf32>, vector<16xi1>
        %scan3A_196 = arith.constant 0 : i32
        scf.yield %scan3A_196 : i32
      }
      %scan3A_149 = arith.constant 256 : i32
      %scan3A_150 = arith.constant 0 : i32
      scf.yield %scan3A_150 : i32
    }
    %scan3A_65 = arith.constant 16 : i32
    %add3A_66 = arith.constant 524288 : i32
    %add3A_67 = arith.addi %mul3A_56, %add3A_66 : i32
    "tpu.region"() ({
      %run_scoped3A = tpu.sem_alloc : memref<!tpu.dma_semaphore, #tpu.memory_space<semaphore_mem>>
      %dma_start3A = tpu.memref_slice %arg6[%add3A_67] : memref<6291456xf32, #tpu.memory_space<hbm>> -> memref<32768xf32, #tpu.memory_space<hbm>>
      %dma_start3A_133 = tpu.memref_slice %arg6[%add3A_67] : memref<6291456xf32, #tpu.memory_space<hbm>> -> memref<32768xf32, #tpu.memory_space<hbm>>
      tpu.enqueue_dma source(%arg10 : memref<32768xf32, #tpu.memory_space<vmem>>) target(%dma_start3A_133 : memref<32768xf32, #tpu.memory_space<hbm>>) target_semaphore(%run_scoped3A : memref<!tpu.dma_semaphore, #tpu.memory_space<semaphore_mem>>)
      %dma_wait3A = tpu.memref_slice %arg6[%add3A_67] : memref<6291456xf32, #tpu.memory_space<hbm>> -> memref<32768xf32, #tpu.memory_space<hbm>>
      %dma_wait3A_134 = tpu.memref_slice %arg6[%add3A_67] : memref<6291456xf32, #tpu.memory_space<hbm>> -> memref<32768xf32, #tpu.memory_space<hbm>>
      tpu.wait_dma2 semaphore(%run_scoped3A : memref<!tpu.dma_semaphore, #tpu.memory_space<semaphore_mem>>) src(%arg10 : memref<32768xf32, #tpu.memory_space<vmem>>) dst(%dma_wait3A_134 : memref<32768xf32, #tpu.memory_space<hbm>>)
      tpu.yield
    }) : () -> ()
    %add3A_68 = arith.constant 32 : i32
    %add3A_69 = arith.addi %add3A, %add3A_68 : i32
    %shift_right_arithmetic3A_70 = arith.constant 3 : i32
    %shift_right_arithmetic3A_71 = arith.shrsi %add3A_69, %shift_right_arithmetic3A_70 : i32
    %and3A_72 = arith.constant 7 : i32
    %and3A_73 = arith.andi %add3A_69, %and3A_72 : i32
    %mul3A_74 = arith.constant 4 : i32
    %mul3A_75 = arith.muli %shift_right_arithmetic3A_71, %mul3A_74 : i32
    %mul3A_76 = arith.constant 131072 : i32
    %mul3A_77 = arith.muli %mul3A_75, %mul3A_76 : i32
    %mul3A_78 = arith.constant 3 : i32
    %mul3A_79 = arith.muli %shift_right_arithmetic3A_71, %mul3A_78 : i32
    %mul3A_80 = arith.constant 131072 : i32
    %mul3A_81 = arith.muli %mul3A_79, %mul3A_80 : i32
    %scan3A_82 = arith.constant 0 : i32
    %scan3A_83 = arith.constant 0 : i32
    %scan3A_84 = arith.constant 2048 : i32
    %scan3A_85 = arith.addi %scan3A_83, %scan3A_84 : i32
    %scan3A_86 = arith.constant 1 : i32
    %scan3A_87 = scf.for %scan3A_133 = %scan3A_83 to %scan3A_85 step %scan3A_86 iter_args(%scan3A_134 = %scan3A_82) -> (i32)  : i32 {
      %mul3A_135 = arith.constant 16 : i32
      %mul3A_136 = arith.muli %scan3A_133, %mul3A_135 : i32
      %swap3A = arith.index_cast %mul3A_136 : i32 to index
      %swap3A_137 = tpu.vector_load %arg10[%swap3A] {strides = array<i32>} : memref<32768xf32, #tpu.memory_space<vmem>>, vector<16xf32>,
      tpu.vector_store %arg10[%swap3A], %broadcast_in_dim3A_1 {strides = array<i32>} : memref<32768xf32, #tpu.memory_space<vmem>>, vector<16xf32>,
      %mul3A_138 = arith.constant 16 : i32
      %mul3A_139 = arith.muli %scan3A_133, %mul3A_138 : i32
      %swap3A_140 = arith.index_cast %mul3A_139 : i32 to index
      %swap3A_141 = tpu.vector_load %arg11[%swap3A_140] {strides = array<i32>} : memref<32768xi32, #tpu.memory_space<vmem>>, vector<16xi32>,
      tpu.vector_store %arg11[%swap3A_140], %broadcast_in_dim3A_5 {strides = array<i32>} : memref<32768xi32, #tpu.memory_space<vmem>>, vector<16xi32>,
      %scan3A_142 = arith.constant 0 : i32
      scf.yield %scan3A_142 : i32
    }
    %scan3A_88 = arith.constant 2048 : i32
    %scan3A_89 = arith.constant 0 : i32
    %scan3A_90 = arith.constant 0 : i32
    %scan3A_91 = arith.constant 16 : i32
    %scan3A_92 = arith.addi %scan3A_90, %scan3A_91 : i32
    %scan3A_93 = arith.constant 1 : i32
    %scan3A_94 = scf.for %scan3A_133 = %scan3A_90 to %scan3A_92 step %scan3A_93 iter_args(%scan3A_134 = %scan3A_89) -> (i32)  : i32 {
      %mul3A_135 = arith.constant 8192 : i32
      %mul3A_136 = arith.muli %scan3A_133, %mul3A_135 : i32
      %mul3A_137 = arith.constant 131072 : i32
      %mul3A_138 = arith.muli %shift_right_arithmetic3A_71, %mul3A_137 : i32
      %add3A_139 = arith.addi %mul3A_138, %mul3A_136 : i32
      "tpu.region"() ({
        %run_scoped3A = tpu.sem_alloc : memref<!tpu.dma_semaphore, #tpu.memory_space<semaphore_mem>>
        %dma_start3A = tpu.memref_slice %arg3[%add3A_139] : memref<1048576xi32, #tpu.memory_space<hbm>> -> memref<8192xi32, #tpu.memory_space<hbm>>
        %dma_start3A_152 = tpu.memref_slice %arg3[%add3A_139] : memref<1048576xi32, #tpu.memory_space<hbm>> -> memref<8192xi32, #tpu.memory_space<hbm>>
        tpu.enqueue_dma source(%dma_start3A_152 : memref<8192xi32, #tpu.memory_space<hbm>>) target(%arg8 : memref<8192xi32, #tpu.memory_space<vmem>>) target_semaphore(%run_scoped3A : memref<!tpu.dma_semaphore, #tpu.memory_space<semaphore_mem>>)
        %dma_wait3A = tpu.memref_slice %arg3[%add3A_139] : memref<1048576xi32, #tpu.memory_space<hbm>> -> memref<8192xi32, #tpu.memory_space<hbm>>
        %dma_wait3A_153 = tpu.memref_slice %arg3[%add3A_139] : memref<1048576xi32, #tpu.memory_space<hbm>> -> memref<8192xi32, #tpu.memory_space<hbm>>
        tpu.wait_dma2 semaphore(%run_scoped3A : memref<!tpu.dma_semaphore, #tpu.memory_space<semaphore_mem>>) src(%dma_wait3A_153 : memref<8192xi32, #tpu.memory_space<hbm>>) dst(%arg8 : memref<8192xi32, #tpu.memory_space<vmem>>)
        tpu.yield
      }) : () -> ()
      %add3A_140 = arith.constant 262144 : i32
      %add3A_141 = arith.addi %mul3A_77, %add3A_140 : i32
      %add3A_142 = arith.addi %add3A_141, %mul3A_136 : i32
      "tpu.region"() ({
        %run_scoped3A = tpu.sem_alloc : memref<!tpu.dma_semaphore, #tpu.memory_space<semaphore_mem>>
        %dma_start3A = tpu.memref_slice %arg2[%add3A_142] : memref<4194304xf32, #tpu.memory_space<hbm>> -> memref<8192xf32, #tpu.memory_space<hbm>>
        %dma_start3A_152 = tpu.memref_slice %arg2[%add3A_142] : memref<4194304xf32, #tpu.memory_space<hbm>> -> memref<8192xf32, #tpu.memory_space<hbm>>
        tpu.enqueue_dma source(%dma_start3A_152 : memref<8192xf32, #tpu.memory_space<hbm>>) target(%arg9 : memref<8192xf32, #tpu.memory_space<vmem>>) target_semaphore(%run_scoped3A : memref<!tpu.dma_semaphore, #tpu.memory_space<semaphore_mem>>)
        %dma_wait3A = tpu.memref_slice %arg2[%add3A_142] : memref<4194304xf32, #tpu.memory_space<hbm>> -> memref<8192xf32, #tpu.memory_space<hbm>>
        %dma_wait3A_153 = tpu.memref_slice %arg2[%add3A_142] : memref<4194304xf32, #tpu.memory_space<hbm>> -> memref<8192xf32, #tpu.memory_space<hbm>>
        tpu.wait_dma2 semaphore(%run_scoped3A : memref<!tpu.dma_semaphore, #tpu.memory_space<semaphore_mem>>) src(%dma_wait3A_153 : memref<8192xf32, #tpu.memory_space<hbm>>) dst(%arg9 : memref<8192xf32, #tpu.memory_space<vmem>>)
        tpu.yield
      }) : () -> ()
      %broadcast_in_dim3A_143 = arith.constant false
      %broadcast_in_dim3A_144 = vector.broadcast %broadcast_in_dim3A_143 : i1 to vector<16xi1>
      %scan3A_145 = arith.constant 0 : i32
      %scan3A_146 = arith.constant 256 : i32
      %scan3A_147 = arith.addi %scan3A_145, %scan3A_146 : i32
      %scan3A_148 = arith.constant 1 : i32
      %scan3A_149 = scf.for %scan3A_152 = %scan3A_145 to %scan3A_147 step %scan3A_148 iter_args(%scan3A_153 = %broadcast_in_dim3A_144) -> (vector<16xi1>)  : i32 {
        %mul3A_154 = arith.constant 2 : i32
        %mul3A_155 = arith.muli %scan3A_152, %mul3A_154 : i32
        %mul3A_156 = arith.constant 16 : i32
        %mul3A_157 = arith.muli %mul3A_155, %mul3A_156 : i32
        %get3A = arith.index_cast %mul3A_157 : i32 to index
        %get3A_158 = tpu.vector_load %arg8[%get3A] {strides = array<i32>} : memref<8192xi32, #tpu.memory_space<vmem>>, vector<16xi32>,
        %get3A_159 = arith.index_cast %mul3A_157 : i32 to index
        %get3A_160 = tpu.vector_load %arg9[%get3A_159] {strides = array<i32>} : memref<8192xf32, #tpu.memory_space<vmem>>, vector<16xf32>,
        %shift_right_arithmetic3A_161 = arith.constant 15 : i32
        %shift_right_arithmetic3A_162 = vector.broadcast %shift_right_arithmetic3A_161 : i32 to vector<16xi32>
        %shift_right_arithmetic3A_163 = arith.shrsi %get3A_158, %shift_right_arithmetic3A_162 : vector<16xi32>
        %eq3A = vector.broadcast %and3A_73 : i32 to vector<16xi32>
        %eq3A_164 = arith.cmpi eq, %shift_right_arithmetic3A_163, %eq3A : vector<16xi32>
        %and3A_165 = arith.constant 32767 : i32
        %and3A_166 = vector.broadcast %and3A_165 : i32 to vector<16xi32>
        %and3A_167 = arith.andi %get3A_158, %and3A_166 : vector<16xi32>
        %add3A_168 = arith.addi %mul3A_136, %mul3A_157 : i32
        %add3A_169 = vector.broadcast %add3A_168 : i32 to vector<16xi32>
        %add3A_170 = arith.addi %add3A_169, %iota3A : vector<16xi32>
        %gather3A = tpu.vector_load_idx %arg10[%and3A_167] : memref<32768xf32, #tpu.memory_space<vmem>>[vector<16xi32>], vector<16xf32>,
        %lt3A = arith.cmpf olt, %get3A_160, %gather3A : vector<16xf32>
        %and3A_171 = arith.andi %eq3A_164, %lt3A : vector<16xi1>
        %and3A_172 = arith.constant 2047 : i32
        %and3A_173 = vector.broadcast %and3A_172 : i32 to vector<16xi32>
        %and3A_174 = arith.andi %and3A_167, %and3A_173 : vector<16xi32>
        tpu.vector_store_idx %arg12[%and3A_174], %iota3A masked %and3A_171 : memref<2048xi32, #tpu.memory_space<vmem>>[vector<16xi32>], vector<16xi32>, vector<16xi1>
        %gather3A_175 = tpu.vector_load_idx %arg12[%and3A_174] : memref<2048xi32, #tpu.memory_space<vmem>>[vector<16xi32>], vector<16xi32>,
        %eq3A_176 = arith.cmpi eq, %gather3A_175, %iota3A : vector<16xi32>
        %and3A_177 = arith.andi %and3A_171, %eq3A_176 : vector<16xi1>
        tpu.vector_store_idx %arg10[%and3A_167], %get3A_160 masked %and3A_177 : memref<32768xf32, #tpu.memory_space<vmem>>[vector<16xi32>], vector<16xf32>, vector<16xi1>
        tpu.vector_store_idx %arg11[%and3A_167], %add3A_170 masked %and3A_177 : memref<32768xi32, #tpu.memory_space<vmem>>[vector<16xi32>], vector<16xi32>, vector<16xi1>
        %xor3A = arith.xori %and3A_171, %and3A_177 : vector<16xi1>
        %or3A = arith.ori %scan3A_153, %xor3A : vector<16xi1>
        %mul3A_178 = arith.constant 2 : i32
        %mul3A_179 = arith.muli %scan3A_152, %mul3A_178 : i32
        %mul3A_180 = arith.constant 16 : i32
        %mul3A_181 = arith.muli %mul3A_179, %mul3A_180 : i32
        %add3A_182 = arith.constant 16 : i32
        %add3A_183 = arith.addi %mul3A_181, %add3A_182 : i32
        %get3A_184 = arith.index_cast %add3A_183 : i32 to index
        %get3A_185 = tpu.vector_load %arg8[%get3A_184] {strides = array<i32>} : memref<8192xi32, #tpu.memory_space<vmem>>, vector<16xi32>,
        %get3A_186 = arith.index_cast %add3A_183 : i32 to index
        %get3A_187 = tpu.vector_load %arg9[%get3A_186] {strides = array<i32>} : memref<8192xf32, #tpu.memory_space<vmem>>, vector<16xf32>,
        %shift_right_arithmetic3A_188 = arith.constant 15 : i32
        %shift_right_arithmetic3A_189 = vector.broadcast %shift_right_arithmetic3A_188 : i32 to vector<16xi32>
        %shift_right_arithmetic3A_190 = arith.shrsi %get3A_185, %shift_right_arithmetic3A_189 : vector<16xi32>
        %eq3A_191 = vector.broadcast %and3A_73 : i32 to vector<16xi32>
        %eq3A_192 = arith.cmpi eq, %shift_right_arithmetic3A_190, %eq3A_191 : vector<16xi32>
        %and3A_193 = arith.constant 32767 : i32
        %and3A_194 = vector.broadcast %and3A_193 : i32 to vector<16xi32>
        %and3A_195 = arith.andi %get3A_185, %and3A_194 : vector<16xi32>
        %add3A_196 = arith.addi %mul3A_136, %add3A_183 : i32
        %add3A_197 = vector.broadcast %add3A_196 : i32 to vector<16xi32>
        %add3A_198 = arith.addi %add3A_197, %iota3A : vector<16xi32>
        %gather3A_199 = tpu.vector_load_idx %arg10[%and3A_195] : memref<32768xf32, #tpu.memory_space<vmem>>[vector<16xi32>], vector<16xf32>,
        %lt3A_200 = arith.cmpf olt, %get3A_187, %gather3A_199 : vector<16xf32>
        %and3A_201 = arith.andi %eq3A_192, %lt3A_200 : vector<16xi1>
        %and3A_202 = arith.constant 2047 : i32
        %and3A_203 = vector.broadcast %and3A_202 : i32 to vector<16xi32>
        %and3A_204 = arith.andi %and3A_195, %and3A_203 : vector<16xi32>
        tpu.vector_store_idx %arg12[%and3A_204], %iota3A masked %and3A_201 : memref<2048xi32, #tpu.memory_space<vmem>>[vector<16xi32>], vector<16xi32>, vector<16xi1>
        %gather3A_205 = tpu.vector_load_idx %arg12[%and3A_204] : memref<2048xi32, #tpu.memory_space<vmem>>[vector<16xi32>], vector<16xi32>,
        %eq3A_206 = arith.cmpi eq, %gather3A_205, %iota3A : vector<16xi32>
        %and3A_207 = arith.andi %and3A_201, %eq3A_206 : vector<16xi1>
        tpu.vector_store_idx %arg10[%and3A_195], %get3A_187 masked %and3A_207 : memref<32768xf32, #tpu.memory_space<vmem>>[vector<16xi32>], vector<16xf32>, vector<16xi1>
        tpu.vector_store_idx %arg11[%and3A_195], %add3A_198 masked %and3A_207 : memref<32768xi32, #tpu.memory_space<vmem>>[vector<16xi32>], vector<16xi32>, vector<16xi1>
        %xor3A_208 = arith.xori %and3A_201, %and3A_207 : vector<16xi1>
        %or3A_209 = arith.ori %or3A, %xor3A_208 : vector<16xi1>
        scf.yield %or3A_209 : vector<16xi1>
      }
      %scan3A_150 = arith.constant 256 : i32
      %while3A = scf.while (%while3A_152 = %scan3A_149) : (vector<16xi1>) -> vector<16xi1> {
        %reduce_or3A = arith.constant 1.000000e+00 : f32
        %reduce_or3A_153 = arith.constant 0.000000e+00 : f32
        %reduce_or3A_154 = vector.broadcast %reduce_or3A : f32 to vector<16xf32>
        %reduce_or3A_155 = vector.broadcast %reduce_or3A_153 : f32 to vector<16xf32>
        %reduce_or3A_156 = arith.select %while3A_152, %reduce_or3A_154, %reduce_or3A_155 : vector<16xi1>, vector<16xf32>
        %reduce_or3A_157 = arith.constant true
        %reduce_or3A_158 = vector.broadcast %reduce_or3A_157 : i1 to vector<16xi1>
        %reduce_or3A_159 = tpu.scan <max>, %reduce_or3A_156 masked %reduce_or3A_158 : vector<16xf32>, vector<16xi1> -> vector<16xf32>
        %reduce_or3A_160 = vector.extract %reduce_or3A_159[15] : f32 from vector<16xf32>
        %reduce_or3A_161 = arith.constant 0.000000e+00 : f32
        %reduce_or3A_162 = arith.cmpf ogt, %reduce_or3A_160, %reduce_or3A_161 : f32
        scf.condition(%reduce_or3A_162) %while3A_152 : vector<16xi1>
      } do {
      ^bb0(%while3A_152: vector<16xi1>):
        %broadcast_in_dim3A_153 = arith.constant false
        %broadcast_in_dim3A_154 = vector.broadcast %broadcast_in_dim3A_153 : i1 to vector<16xi1>
        %scan3A_155 = arith.constant 0 : i32
        %scan3A_156 = arith.constant 256 : i32
        %scan3A_157 = arith.addi %scan3A_155, %scan3A_156 : i32
        %scan3A_158 = arith.constant 1 : i32
        %scan3A_159 = scf.for %scan3A_161 = %scan3A_155 to %scan3A_157 step %scan3A_158 iter_args(%scan3A_162 = %broadcast_in_dim3A_154) -> (vector<16xi1>)  : i32 {
          %mul3A_163 = arith.constant 2 : i32
          %mul3A_164 = arith.muli %scan3A_161, %mul3A_163 : i32
          %mul3A_165 = arith.constant 16 : i32
          %mul3A_166 = arith.muli %mul3A_164, %mul3A_165 : i32
          %get3A = arith.index_cast %mul3A_166 : i32 to index
          %get3A_167 = tpu.vector_load %arg8[%get3A] {strides = array<i32>} : memref<8192xi32, #tpu.memory_space<vmem>>, vector<16xi32>,
          %get3A_168 = arith.index_cast %mul3A_166 : i32 to index
          %get3A_169 = tpu.vector_load %arg9[%get3A_168] {strides = array<i32>} : memref<8192xf32, #tpu.memory_space<vmem>>, vector<16xf32>,
          %shift_right_arithmetic3A_170 = arith.constant 15 : i32
          %shift_right_arithmetic3A_171 = vector.broadcast %shift_right_arithmetic3A_170 : i32 to vector<16xi32>
          %shift_right_arithmetic3A_172 = arith.shrsi %get3A_167, %shift_right_arithmetic3A_171 : vector<16xi32>
          %eq3A = vector.broadcast %and3A_73 : i32 to vector<16xi32>
          %eq3A_173 = arith.cmpi eq, %shift_right_arithmetic3A_172, %eq3A : vector<16xi32>
          %and3A_174 = arith.constant 32767 : i32
          %and3A_175 = vector.broadcast %and3A_174 : i32 to vector<16xi32>
          %and3A_176 = arith.andi %get3A_167, %and3A_175 : vector<16xi32>
          %add3A_177 = arith.addi %mul3A_136, %mul3A_166 : i32
          %add3A_178 = vector.broadcast %add3A_177 : i32 to vector<16xi32>
          %add3A_179 = arith.addi %add3A_178, %iota3A : vector<16xi32>
          %gather3A = tpu.vector_load_idx %arg10[%and3A_176] : memref<32768xf32, #tpu.memory_space<vmem>>[vector<16xi32>], vector<16xf32>,
          %gather3A_180 = tpu.vector_load_idx %arg11[%and3A_176] : memref<32768xi32, #tpu.memory_space<vmem>>[vector<16xi32>], vector<16xi32>,
          %lt3A = arith.cmpf olt, %get3A_169, %gather3A : vector<16xf32>
          %eq3A_181 = arith.cmpf oeq, %get3A_169, %gather3A : vector<16xf32>
          %lt3A_182 = arith.cmpi slt, %add3A_179, %gather3A_180 : vector<16xi32>
          %and3A_183 = arith.andi %eq3A_181, %lt3A_182 : vector<16xi1>
          %or3A = arith.ori %lt3A, %and3A_183 : vector<16xi1>
          %and3A_184 = arith.andi %eq3A_173, %or3A : vector<16xi1>
          %and3A_185 = arith.constant 2047 : i32
          %and3A_186 = vector.broadcast %and3A_185 : i32 to vector<16xi32>
          %and3A_187 = arith.andi %and3A_176, %and3A_186 : vector<16xi32>
          tpu.vector_store_idx %arg12[%and3A_187], %iota3A masked %and3A_184 : memref<2048xi32, #tpu.memory_space<vmem>>[vector<16xi32>], vector<16xi32>, vector<16xi1>
          %gather3A_188 = tpu.vector_load_idx %arg12[%and3A_187] : memref<2048xi32, #tpu.memory_space<vmem>>[vector<16xi32>], vector<16xi32>,
          %eq3A_189 = arith.cmpi eq, %gather3A_188, %iota3A : vector<16xi32>
          %and3A_190 = arith.andi %and3A_184, %eq3A_189 : vector<16xi1>
          tpu.vector_store_idx %arg10[%and3A_176], %get3A_169 masked %and3A_190 : memref<32768xf32, #tpu.memory_space<vmem>>[vector<16xi32>], vector<16xf32>, vector<16xi1>
          tpu.vector_store_idx %arg11[%and3A_176], %add3A_179 masked %and3A_190 : memref<32768xi32, #tpu.memory_space<vmem>>[vector<16xi32>], vector<16xi32>, vector<16xi1>
          %xor3A = arith.xori %and3A_184, %and3A_190 : vector<16xi1>
          %or3A_191 = arith.ori %scan3A_162, %xor3A : vector<16xi1>
          %mul3A_192 = arith.constant 2 : i32
          %mul3A_193 = arith.muli %scan3A_161, %mul3A_192 : i32
          %mul3A_194 = arith.constant 16 : i32
          %mul3A_195 = arith.muli %mul3A_193, %mul3A_194 : i32
          %add3A_196 = arith.constant 16 : i32
          %add3A_197 = arith.addi %mul3A_195, %add3A_196 : i32
          %get3A_198 = arith.index_cast %add3A_197 : i32 to index
          %get3A_199 = tpu.vector_load %arg8[%get3A_198] {strides = array<i32>} : memref<8192xi32, #tpu.memory_space<vmem>>, vector<16xi32>,
          %get3A_200 = arith.index_cast %add3A_197 : i32 to index
          %get3A_201 = tpu.vector_load %arg9[%get3A_200] {strides = array<i32>} : memref<8192xf32, #tpu.memory_space<vmem>>, vector<16xf32>,
          %shift_right_arithmetic3A_202 = arith.constant 15 : i32
          %shift_right_arithmetic3A_203 = vector.broadcast %shift_right_arithmetic3A_202 : i32 to vector<16xi32>
          %shift_right_arithmetic3A_204 = arith.shrsi %get3A_199, %shift_right_arithmetic3A_203 : vector<16xi32>
          %eq3A_205 = vector.broadcast %and3A_73 : i32 to vector<16xi32>
          %eq3A_206 = arith.cmpi eq, %shift_right_arithmetic3A_204, %eq3A_205 : vector<16xi32>
          %and3A_207 = arith.constant 32767 : i32
          %and3A_208 = vector.broadcast %and3A_207 : i32 to vector<16xi32>
          %and3A_209 = arith.andi %get3A_199, %and3A_208 : vector<16xi32>
          %add3A_210 = arith.addi %mul3A_136, %add3A_197 : i32
          %add3A_211 = vector.broadcast %add3A_210 : i32 to vector<16xi32>
          %add3A_212 = arith.addi %add3A_211, %iota3A : vector<16xi32>
          %gather3A_213 = tpu.vector_load_idx %arg10[%and3A_209] : memref<32768xf32, #tpu.memory_space<vmem>>[vector<16xi32>], vector<16xf32>,
          %gather3A_214 = tpu.vector_load_idx %arg11[%and3A_209] : memref<32768xi32, #tpu.memory_space<vmem>>[vector<16xi32>], vector<16xi32>,
          %lt3A_215 = arith.cmpf olt, %get3A_201, %gather3A_213 : vector<16xf32>
          %eq3A_216 = arith.cmpf oeq, %get3A_201, %gather3A_213 : vector<16xf32>
          %lt3A_217 = arith.cmpi slt, %add3A_212, %gather3A_214 : vector<16xi32>
          %and3A_218 = arith.andi %eq3A_216, %lt3A_217 : vector<16xi1>
          %or3A_219 = arith.ori %lt3A_215, %and3A_218 : vector<16xi1>
          %and3A_220 = arith.andi %eq3A_206, %or3A_219 : vector<16xi1>
          %and3A_221 = arith.constant 2047 : i32
          %and3A_222 = vector.broadcast %and3A_221 : i32 to vector<16xi32>
          %and3A_223 = arith.andi %and3A_209, %and3A_222 : vector<16xi32>
          tpu.vector_store_idx %arg12[%and3A_223], %iota3A masked %and3A_220 : memref<2048xi32, #tpu.memory_space<vmem>>[vector<16xi32>], vector<16xi32>, vector<16xi1>
          %gather3A_224 = tpu.vector_load_idx %arg12[%and3A_223] : memref<2048xi32, #tpu.memory_space<vmem>>[vector<16xi32>], vector<16xi32>,
          %eq3A_225 = arith.cmpi eq, %gather3A_224, %iota3A : vector<16xi32>
          %and3A_226 = arith.andi %and3A_220, %eq3A_225 : vector<16xi1>
          tpu.vector_store_idx %arg10[%and3A_209], %get3A_201 masked %and3A_226 : memref<32768xf32, #tpu.memory_space<vmem>>[vector<16xi32>], vector<16xf32>, vector<16xi1>
          tpu.vector_store_idx %arg11[%and3A_209], %add3A_212 masked %and3A_226 : memref<32768xi32, #tpu.memory_space<vmem>>[vector<16xi32>], vector<16xi32>, vector<16xi1>
          %xor3A_227 = arith.xori %and3A_220, %and3A_226 : vector<16xi1>
          %or3A_228 = arith.ori %or3A_191, %xor3A_227 : vector<16xi1>
          scf.yield %or3A_228 : vector<16xi1>
        }
        %scan3A_160 = arith.constant 256 : i32
        scf.yield %scan3A_159 : vector<16xi1>
      }
      %scan3A_151 = arith.constant 0 : i32
      scf.yield %scan3A_151 : i32
    }
    %scan3A_95 = arith.constant 16 : i32
    %scan3A_96 = arith.constant 0 : i32
    %scan3A_97 = arith.constant 0 : i32
    %scan3A_98 = arith.constant 2048 : i32
    %scan3A_99 = arith.addi %scan3A_97, %scan3A_98 : i32
    %scan3A_100 = arith.constant 1 : i32
    %scan3A_101 = scf.for %scan3A_133 = %scan3A_97 to %scan3A_99 step %scan3A_100 iter_args(%scan3A_134 = %scan3A_96) -> (i32)  : i32 {
      %mul3A_135 = arith.constant 16 : i32
      %mul3A_136 = arith.muli %scan3A_133, %mul3A_135 : i32
      %get3A = arith.index_cast %mul3A_136 : i32 to index
      %get3A_137 = tpu.vector_load %arg11[%get3A] {strides = array<i32>} : memref<32768xi32, #tpu.memory_space<vmem>>, vector<16xi32>,
      %get3A_138 = arith.index_cast %mul3A_136 : i32 to index
      %get3A_139 = tpu.vector_load %arg10[%get3A_138] {strides = array<i32>} : memref<32768xf32, #tpu.memory_space<vmem>>, vector<16xf32>,
      %lt3A = arith.constant 131072 : i32
      %lt3A_140 = vector.broadcast %lt3A : i32 to vector<16xi32>
      %lt3A_141 = arith.cmpi slt, %get3A_137, %lt3A_140 : vector<16xi32>
      %jit3A = arith.constant -1 : i32
      %broadcast_in_dim3A_142 = vector.broadcast %jit3A : i32 to vector<16xi32>
      %select_n3A = arith.select %lt3A_141, %get3A_137, %broadcast_in_dim3A_142 : vector<16xi1>, vector<16xi32>
      %swap3A = arith.index_cast %mul3A_136 : i32 to index
      %swap3A_143 = tpu.vector_load %arg11[%swap3A] {strides = array<i32>} : memref<32768xi32, #tpu.memory_space<vmem>>, vector<16xi32>,
      tpu.vector_store %arg11[%swap3A], %select_n3A {strides = array<i32>} : memref<32768xi32, #tpu.memory_space<vmem>>, vector<16xi32>,
      %jit3A_144 = arith.constant 0.000000e+00 : f32
      %broadcast_in_dim3A_145 = vector.broadcast %jit3A_144 : f32 to vector<16xf32>
      %select_n3A_146 = arith.select %lt3A_141, %get3A_139, %broadcast_in_dim3A_145 : vector<16xi1>, vector<16xf32>
      %swap3A_147 = arith.index_cast %mul3A_136 : i32 to index
      %swap3A_148 = tpu.vector_load %arg10[%swap3A_147] {strides = array<i32>} : memref<32768xf32, #tpu.memory_space<vmem>>, vector<16xf32>,
      tpu.vector_store %arg10[%swap3A_147], %select_n3A_146 {strides = array<i32>} : memref<32768xf32, #tpu.memory_space<vmem>>, vector<16xf32>,
      %swap3A_149 = arith.index_cast %mul3A_136 : i32 to index
      %swap3A_150 = tpu.vector_load %arg14[%swap3A_149] {strides = array<i32>} : memref<32768xf32, #tpu.memory_space<vmem>>, vector<16xf32>,
      tpu.vector_store %arg14[%swap3A_149], %broadcast_in_dim3A_3 {strides = array<i32>} : memref<32768xf32, #tpu.memory_space<vmem>>, vector<16xf32>,
      %scan3A_151 = arith.constant 0 : i32
      scf.yield %scan3A_151 : i32
    }
    %scan3A_102 = arith.constant 2048 : i32
    %mul3A_103 = arith.constant 8 : i32
    %mul3A_104 = arith.muli %shift_right_arithmetic3A_71, %mul3A_103 : i32
    %add3A_105 = arith.addi %mul3A_104, %and3A_73 : i32
    %mul3A_106 = arith.constant 32768 : i32
    %mul3A_107 = arith.muli %add3A_105, %mul3A_106 : i32
    "tpu.region"() ({
      %run_scoped3A = tpu.sem_alloc : memref<!tpu.dma_semaphore, #tpu.memory_space<semaphore_mem>>
      %dma_start3A = tpu.memref_slice %arg5[%mul3A_107] : memref<2097152xf32, #tpu.memory_space<hbm>> -> memref<32768xf32, #tpu.memory_space<hbm>>
      %dma_start3A_133 = tpu.memref_slice %arg5[%mul3A_107] : memref<2097152xf32, #tpu.memory_space<hbm>> -> memref<32768xf32, #tpu.memory_space<hbm>>
      tpu.enqueue_dma source(%arg10 : memref<32768xf32, #tpu.memory_space<vmem>>) target(%dma_start3A_133 : memref<32768xf32, #tpu.memory_space<hbm>>) target_semaphore(%run_scoped3A : memref<!tpu.dma_semaphore, #tpu.memory_space<semaphore_mem>>)
      %dma_wait3A = tpu.memref_slice %arg5[%mul3A_107] : memref<2097152xf32, #tpu.memory_space<hbm>> -> memref<32768xf32, #tpu.memory_space<hbm>>
      %dma_wait3A_134 = tpu.memref_slice %arg5[%mul3A_107] : memref<2097152xf32, #tpu.memory_space<hbm>> -> memref<32768xf32, #tpu.memory_space<hbm>>
      tpu.wait_dma2 semaphore(%run_scoped3A : memref<!tpu.dma_semaphore, #tpu.memory_space<semaphore_mem>>) src(%arg10 : memref<32768xf32, #tpu.memory_space<vmem>>) dst(%dma_wait3A_134 : memref<32768xf32, #tpu.memory_space<hbm>>)
      tpu.yield
    }) : () -> ()
    "tpu.region"() ({
      %run_scoped3A = tpu.sem_alloc : memref<!tpu.dma_semaphore, #tpu.memory_space<semaphore_mem>>
      %dma_start3A = tpu.memref_slice %arg7[%mul3A_107] : memref<2097152xi32, #tpu.memory_space<hbm>> -> memref<32768xi32, #tpu.memory_space<hbm>>
      %dma_start3A_133 = tpu.memref_slice %arg7[%mul3A_107] : memref<2097152xi32, #tpu.memory_space<hbm>> -> memref<32768xi32, #tpu.memory_space<hbm>>
      tpu.enqueue_dma source(%arg11 : memref<32768xi32, #tpu.memory_space<vmem>>) target(%dma_start3A_133 : memref<32768xi32, #tpu.memory_space<hbm>>) target_semaphore(%run_scoped3A : memref<!tpu.dma_semaphore, #tpu.memory_space<semaphore_mem>>)
      %dma_wait3A = tpu.memref_slice %arg7[%mul3A_107] : memref<2097152xi32, #tpu.memory_space<hbm>> -> memref<32768xi32, #tpu.memory_space<hbm>>
      %dma_wait3A_134 = tpu.memref_slice %arg7[%mul3A_107] : memref<2097152xi32, #tpu.memory_space<hbm>> -> memref<32768xi32, #tpu.memory_space<hbm>>
      tpu.wait_dma2 semaphore(%run_scoped3A : memref<!tpu.dma_semaphore, #tpu.memory_space<semaphore_mem>>) src(%arg11 : memref<32768xi32, #tpu.memory_space<vmem>>) dst(%dma_wait3A_134 : memref<32768xi32, #tpu.memory_space<hbm>>)
      tpu.yield
    }) : () -> ()
    %scan3A_108 = arith.constant 0 : i32
    %scan3A_109 = arith.constant 0 : i32
    %scan3A_110 = arith.constant 16 : i32
    %scan3A_111 = arith.addi %scan3A_109, %scan3A_110 : i32
    %scan3A_112 = arith.constant 1 : i32
    %scan3A_113 = scf.for %scan3A_133 = %scan3A_109 to %scan3A_111 step %scan3A_112 iter_args(%scan3A_134 = %scan3A_108) -> (i32)  : i32 {
      %mul3A_135 = arith.constant 8192 : i32
      %mul3A_136 = arith.muli %scan3A_133, %mul3A_135 : i32
      %mul3A_137 = arith.constant 131072 : i32
      %mul3A_138 = arith.muli %shift_right_arithmetic3A_71, %mul3A_137 : i32
      %add3A_139 = arith.addi %mul3A_138, %mul3A_136 : i32
      "tpu.region"() ({
        %run_scoped3A = tpu.sem_alloc : memref<!tpu.dma_semaphore, #tpu.memory_space<semaphore_mem>>
        %dma_start3A = tpu.memref_slice %arg3[%add3A_139] : memref<1048576xi32, #tpu.memory_space<hbm>> -> memref<8192xi32, #tpu.memory_space<hbm>>
        %dma_start3A_152 = tpu.memref_slice %arg3[%add3A_139] : memref<1048576xi32, #tpu.memory_space<hbm>> -> memref<8192xi32, #tpu.memory_space<hbm>>
        tpu.enqueue_dma source(%dma_start3A_152 : memref<8192xi32, #tpu.memory_space<hbm>>) target(%arg8 : memref<8192xi32, #tpu.memory_space<vmem>>) target_semaphore(%run_scoped3A : memref<!tpu.dma_semaphore, #tpu.memory_space<semaphore_mem>>)
        %dma_wait3A = tpu.memref_slice %arg3[%add3A_139] : memref<1048576xi32, #tpu.memory_space<hbm>> -> memref<8192xi32, #tpu.memory_space<hbm>>
        %dma_wait3A_153 = tpu.memref_slice %arg3[%add3A_139] : memref<1048576xi32, #tpu.memory_space<hbm>> -> memref<8192xi32, #tpu.memory_space<hbm>>
        tpu.wait_dma2 semaphore(%run_scoped3A : memref<!tpu.dma_semaphore, #tpu.memory_space<semaphore_mem>>) src(%dma_wait3A_153 : memref<8192xi32, #tpu.memory_space<hbm>>) dst(%arg8 : memref<8192xi32, #tpu.memory_space<vmem>>)
        tpu.yield
      }) : () -> ()
      %add3A_140 = arith.addi %mul3A_81, %mul3A_136 : i32
      "tpu.region"() ({
        %run_scoped3A = tpu.sem_alloc : memref<!tpu.dma_semaphore, #tpu.memory_space<semaphore_mem>>
        %dma_start3A = tpu.memref_slice %arg4[%add3A_140] : memref<3145728xf32, #tpu.memory_space<hbm>> -> memref<8192xf32, #tpu.memory_space<hbm>>
        %dma_start3A_152 = tpu.memref_slice %arg4[%add3A_140] : memref<3145728xf32, #tpu.memory_space<hbm>> -> memref<8192xf32, #tpu.memory_space<hbm>>
        tpu.enqueue_dma source(%dma_start3A_152 : memref<8192xf32, #tpu.memory_space<hbm>>) target(%arg9 : memref<8192xf32, #tpu.memory_space<vmem>>) target_semaphore(%run_scoped3A : memref<!tpu.dma_semaphore, #tpu.memory_space<semaphore_mem>>)
        %dma_wait3A = tpu.memref_slice %arg4[%add3A_140] : memref<3145728xf32, #tpu.memory_space<hbm>> -> memref<8192xf32, #tpu.memory_space<hbm>>
        %dma_wait3A_153 = tpu.memref_slice %arg4[%add3A_140] : memref<3145728xf32, #tpu.memory_space<hbm>> -> memref<8192xf32, #tpu.memory_space<hbm>>
        tpu.wait_dma2 semaphore(%run_scoped3A : memref<!tpu.dma_semaphore, #tpu.memory_space<semaphore_mem>>) src(%dma_wait3A_153 : memref<8192xf32, #tpu.memory_space<hbm>>) dst(%arg9 : memref<8192xf32, #tpu.memory_space<vmem>>)
        tpu.yield
      }) : () -> ()
      %add3A_141 = arith.constant 131072 : i32
      %add3A_142 = arith.addi %mul3A_81, %add3A_141 : i32
      %add3A_143 = arith.addi %add3A_142, %mul3A_136 : i32
      "tpu.region"() ({
        %run_scoped3A = tpu.sem_alloc : memref<!tpu.dma_semaphore, #tpu.memory_space<semaphore_mem>>
        %dma_start3A = tpu.memref_slice %arg4[%add3A_143] : memref<3145728xf32, #tpu.memory_space<hbm>> -> memref<8192xf32, #tpu.memory_space<hbm>>
        %dma_start3A_152 = tpu.memref_slice %arg4[%add3A_143] : memref<3145728xf32, #tpu.memory_space<hbm>> -> memref<8192xf32, #tpu.memory_space<hbm>>
        tpu.enqueue_dma source(%dma_start3A_152 : memref<8192xf32, #tpu.memory_space<hbm>>) target(%arg13 : memref<8192xf32, #tpu.memory_space<vmem>>) target_semaphore(%run_scoped3A : memref<!tpu.dma_semaphore, #tpu.memory_space<semaphore_mem>>)
        %dma_wait3A = tpu.memref_slice %arg4[%add3A_143] : memref<3145728xf32, #tpu.memory_space<hbm>> -> memref<8192xf32, #tpu.memory_space<hbm>>
        %dma_wait3A_153 = tpu.memref_slice %arg4[%add3A_143] : memref<3145728xf32, #tpu.memory_space<hbm>> -> memref<8192xf32, #tpu.memory_space<hbm>>
        tpu.wait_dma2 semaphore(%run_scoped3A : memref<!tpu.dma_semaphore, #tpu.memory_space<semaphore_mem>>) src(%dma_wait3A_153 : memref<8192xf32, #tpu.memory_space<hbm>>) dst(%arg13 : memref<8192xf32, #tpu.memory_space<vmem>>)
        tpu.yield
      }) : () -> ()
      %scan3A_144 = arith.constant 0 : i32
      %scan3A_145 = arith.constant 0 : i32
      %scan3A_146 = arith.constant 256 : i32
      %scan3A_147 = arith.addi %scan3A_145, %scan3A_146 : i32
      %scan3A_148 = arith.constant 1 : i32
      %scan3A_149 = scf.for %scan3A_152 = %scan3A_145 to %scan3A_147 step %scan3A_148 iter_args(%scan3A_153 = %scan3A_144) -> (i32)  : i32 {
        %mul3A_154 = arith.constant 2 : i32
        %mul3A_155 = arith.muli %scan3A_152, %mul3A_154 : i32
        %mul3A_156 = arith.constant 16 : i32
        %mul3A_157 = arith.muli %mul3A_155, %mul3A_156 : i32
        %get3A = arith.index_cast %mul3A_157 : i32 to index
        %get3A_158 = tpu.vector_load %arg8[%get3A] {strides = array<i32>} : memref<8192xi32, #tpu.memory_space<vmem>>, vector<16xi32>,
        %shift_right_arithmetic3A_159 = arith.constant 15 : i32
        %shift_right_arithmetic3A_160 = vector.broadcast %shift_right_arithmetic3A_159 : i32 to vector<16xi32>
        %shift_right_arithmetic3A_161 = arith.shrsi %get3A_158, %shift_right_arithmetic3A_160 : vector<16xi32>
        %eq3A = vector.broadcast %and3A_73 : i32 to vector<16xi32>
        %eq3A_162 = arith.cmpi eq, %shift_right_arithmetic3A_161, %eq3A : vector<16xi32>
        %and3A_163 = arith.constant 32767 : i32
        %and3A_164 = vector.broadcast %and3A_163 : i32 to vector<16xi32>
        %and3A_165 = arith.andi %get3A_158, %and3A_164 : vector<16xi32>
        %add3A_166 = arith.addi %mul3A_136, %mul3A_157 : i32
        %add3A_167 = vector.broadcast %add3A_166 : i32 to vector<16xi32>
        %add3A_168 = arith.addi %add3A_167, %iota3A : vector<16xi32>
        %gather3A = tpu.vector_load_idx %arg11[%and3A_165] : memref<32768xi32, #tpu.memory_space<vmem>>[vector<16xi32>], vector<16xi32>,
        %eq3A_169 = arith.cmpi eq, %gather3A, %add3A_168 : vector<16xi32>
        %and3A_170 = arith.andi %eq3A_162, %eq3A_169 : vector<16xi1>
        %get3A_171 = arith.index_cast %mul3A_157 : i32 to index
        %get3A_172 = tpu.vector_load %arg9[%get3A_171] {strides = array<i32>} : memref<8192xf32, #tpu.memory_space<vmem>>, vector<16xf32>,
        tpu.vector_store_idx %arg10[%and3A_165], %get3A_172 masked %and3A_170 : memref<32768xf32, #tpu.memory_space<vmem>>[vector<16xi32>], vector<16xf32>, vector<16xi1>
        %get3A_173 = arith.index_cast %mul3A_157 : i32 to index
        %get3A_174 = tpu.vector_load %arg13[%get3A_173] {strides = array<i32>} : memref<8192xf32, #tpu.memory_space<vmem>>, vector<16xf32>,
        tpu.vector_store_idx %arg14[%and3A_165], %get3A_174 masked %and3A_170 : memref<32768xf32, #tpu.memory_space<vmem>>[vector<16xi32>], vector<16xf32>, vector<16xi1>
        %mul3A_175 = arith.constant 2 : i32
        %mul3A_176 = arith.muli %scan3A_152, %mul3A_175 : i32
        %mul3A_177 = arith.constant 16 : i32
        %mul3A_178 = arith.muli %mul3A_176, %mul3A_177 : i32
        %add3A_179 = arith.constant 16 : i32
        %add3A_180 = arith.addi %mul3A_178, %add3A_179 : i32
        %get3A_181 = arith.index_cast %add3A_180 : i32 to index
        %get3A_182 = tpu.vector_load %arg8[%get3A_181] {strides = array<i32>} : memref<8192xi32, #tpu.memory_space<vmem>>, vector<16xi32>,
        %shift_right_arithmetic3A_183 = arith.constant 15 : i32
        %shift_right_arithmetic3A_184 = vector.broadcast %shift_right_arithmetic3A_183 : i32 to vector<16xi32>
        %shift_right_arithmetic3A_185 = arith.shrsi %get3A_182, %shift_right_arithmetic3A_184 : vector<16xi32>
        %eq3A_186 = vector.broadcast %and3A_73 : i32 to vector<16xi32>
        %eq3A_187 = arith.cmpi eq, %shift_right_arithmetic3A_185, %eq3A_186 : vector<16xi32>
        %and3A_188 = arith.constant 32767 : i32
        %and3A_189 = vector.broadcast %and3A_188 : i32 to vector<16xi32>
        %and3A_190 = arith.andi %get3A_182, %and3A_189 : vector<16xi32>
        %add3A_191 = arith.addi %mul3A_136, %add3A_180 : i32
        %add3A_192 = vector.broadcast %add3A_191 : i32 to vector<16xi32>
        %add3A_193 = arith.addi %add3A_192, %iota3A : vector<16xi32>
        %gather3A_194 = tpu.vector_load_idx %arg11[%and3A_190] : memref<32768xi32, #tpu.memory_space<vmem>>[vector<16xi32>], vector<16xi32>,
        %eq3A_195 = arith.cmpi eq, %gather3A_194, %add3A_193 : vector<16xi32>
        %and3A_196 = arith.andi %eq3A_187, %eq3A_195 : vector<16xi1>
        %get3A_197 = arith.index_cast %add3A_180 : i32 to index
        %get3A_198 = tpu.vector_load %arg9[%get3A_197] {strides = array<i32>} : memref<8192xf32, #tpu.memory_space<vmem>>, vector<16xf32>,
        tpu.vector_store_idx %arg10[%and3A_190], %get3A_198 masked %and3A_196 : memref<32768xf32, #tpu.memory_space<vmem>>[vector<16xi32>], vector<16xf32>, vector<16xi1>
        %get3A_199 = arith.index_cast %add3A_180 : i32 to index
        %get3A_200 = tpu.vector_load %arg13[%get3A_199] {strides = array<i32>} : memref<8192xf32, #tpu.memory_space<vmem>>, vector<16xf32>,
        tpu.vector_store_idx %arg14[%and3A_190], %get3A_200 masked %and3A_196 : memref<32768xf32, #tpu.memory_space<vmem>>[vector<16xi32>], vector<16xf32>, vector<16xi1>
        %scan3A_201 = arith.constant 0 : i32
        scf.yield %scan3A_201 : i32
      }
      %scan3A_150 = arith.constant 256 : i32
      %scan3A_151 = arith.constant 0 : i32
      scf.yield %scan3A_151 : i32
    }
    %scan3A_114 = arith.constant 16 : i32
    %mul3A_115 = arith.constant 3 : i32
    %mul3A_116 = arith.muli %shift_right_arithmetic3A_71, %mul3A_115 : i32
    %mul3A_117 = arith.constant 8 : i32
    %mul3A_118 = arith.muli %mul3A_116, %mul3A_117 : i32
    %add3A_119 = arith.addi %mul3A_118, %and3A_73 : i32
    %mul3A_120 = arith.constant 32768 : i32
    %mul3A_121 = arith.muli %add3A_119, %mul3A_120 : i32
    "tpu.region"() ({
      %run_scoped3A = tpu.sem_alloc : memref<!tpu.dma_semaphore, #tpu.memory_space<semaphore_mem>>
      %dma_start3A = tpu.memref_slice %arg6[%mul3A_121] : memref<6291456xf32, #tpu.memory_space<hbm>> -> memref<32768xf32, #tpu.memory_space<hbm>>
      %dma_start3A_133 = tpu.memref_slice %arg6[%mul3A_121] : memref<6291456xf32, #tpu.memory_space<hbm>> -> memref<32768xf32, #tpu.memory_space<hbm>>
      tpu.enqueue_dma source(%arg10 : memref<32768xf32, #tpu.memory_space<vmem>>) target(%dma_start3A_133 : memref<32768xf32, #tpu.memory_space<hbm>>) target_semaphore(%run_scoped3A : memref<!tpu.dma_semaphore, #tpu.memory_space<semaphore_mem>>)
      %dma_wait3A = tpu.memref_slice %arg6[%mul3A_121] : memref<6291456xf32, #tpu.memory_space<hbm>> -> memref<32768xf32, #tpu.memory_space<hbm>>
      %dma_wait3A_134 = tpu.memref_slice %arg6[%mul3A_121] : memref<6291456xf32, #tpu.memory_space<hbm>> -> memref<32768xf32, #tpu.memory_space<hbm>>
      tpu.wait_dma2 semaphore(%run_scoped3A : memref<!tpu.dma_semaphore, #tpu.memory_space<semaphore_mem>>) src(%arg10 : memref<32768xf32, #tpu.memory_space<vmem>>) dst(%dma_wait3A_134 : memref<32768xf32, #tpu.memory_space<hbm>>)
      tpu.yield
    }) : () -> ()
    %add3A_122 = arith.constant 262144 : i32
    %add3A_123 = arith.addi %mul3A_121, %add3A_122 : i32
    "tpu.region"() ({
      %run_scoped3A = tpu.sem_alloc : memref<!tpu.dma_semaphore, #tpu.memory_space<semaphore_mem>>
      %dma_start3A = tpu.memref_slice %arg6[%add3A_123] : memref<6291456xf32, #tpu.memory_space<hbm>> -> memref<32768xf32, #tpu.memory_space<hbm>>
      %dma_start3A_133 = tpu.memref_slice %arg6[%add3A_123] : memref<6291456xf32, #tpu.memory_space<hbm>> -> memref<32768xf32, #tpu.memory_space<hbm>>
      tpu.enqueue_dma source(%arg14 : memref<32768xf32, #tpu.memory_space<vmem>>) target(%dma_start3A_133 : memref<32768xf32, #tpu.memory_space<hbm>>) target_semaphore(%run_scoped3A : memref<!tpu.dma_semaphore, #tpu.memory_space<semaphore_mem>>)
      %dma_wait3A = tpu.memref_slice %arg6[%add3A_123] : memref<6291456xf32, #tpu.memory_space<hbm>> -> memref<32768xf32, #tpu.memory_space<hbm>>
      %dma_wait3A_134 = tpu.memref_slice %arg6[%add3A_123] : memref<6291456xf32, #tpu.memory_space<hbm>> -> memref<32768xf32, #tpu.memory_space<hbm>>
      tpu.wait_dma2 semaphore(%run_scoped3A : memref<!tpu.dma_semaphore, #tpu.memory_space<semaphore_mem>>) src(%arg14 : memref<32768xf32, #tpu.memory_space<vmem>>) dst(%dma_wait3A_134 : memref<32768xf32, #tpu.memory_space<hbm>>)
      tpu.yield
    }) : () -> ()
    %scan3A_124 = arith.constant 0 : i32
    %scan3A_125 = arith.constant 0 : i32
    %scan3A_126 = arith.constant 16 : i32
    %scan3A_127 = arith.addi %scan3A_125, %scan3A_126 : i32
    %scan3A_128 = arith.constant 1 : i32
    %scan3A_129 = scf.for %scan3A_133 = %scan3A_125 to %scan3A_127 step %scan3A_128 iter_args(%scan3A_134 = %scan3A_124) -> (i32)  : i32 {
      %mul3A_135 = arith.constant 8192 : i32
      %mul3A_136 = arith.muli %scan3A_133, %mul3A_135 : i32
      %mul3A_137 = arith.constant 131072 : i32
      %mul3A_138 = arith.muli %shift_right_arithmetic3A_71, %mul3A_137 : i32
      %add3A_139 = arith.addi %mul3A_138, %mul3A_136 : i32
      "tpu.region"() ({
        %run_scoped3A = tpu.sem_alloc : memref<!tpu.dma_semaphore, #tpu.memory_space<semaphore_mem>>
        %dma_start3A = tpu.memref_slice %arg3[%add3A_139] : memref<1048576xi32, #tpu.memory_space<hbm>> -> memref<8192xi32, #tpu.memory_space<hbm>>
        %dma_start3A_151 = tpu.memref_slice %arg3[%add3A_139] : memref<1048576xi32, #tpu.memory_space<hbm>> -> memref<8192xi32, #tpu.memory_space<hbm>>
        tpu.enqueue_dma source(%dma_start3A_151 : memref<8192xi32, #tpu.memory_space<hbm>>) target(%arg8 : memref<8192xi32, #tpu.memory_space<vmem>>) target_semaphore(%run_scoped3A : memref<!tpu.dma_semaphore, #tpu.memory_space<semaphore_mem>>)
        %dma_wait3A = tpu.memref_slice %arg3[%add3A_139] : memref<1048576xi32, #tpu.memory_space<hbm>> -> memref<8192xi32, #tpu.memory_space<hbm>>
        %dma_wait3A_152 = tpu.memref_slice %arg3[%add3A_139] : memref<1048576xi32, #tpu.memory_space<hbm>> -> memref<8192xi32, #tpu.memory_space<hbm>>
        tpu.wait_dma2 semaphore(%run_scoped3A : memref<!tpu.dma_semaphore, #tpu.memory_space<semaphore_mem>>) src(%dma_wait3A_152 : memref<8192xi32, #tpu.memory_space<hbm>>) dst(%arg8 : memref<8192xi32, #tpu.memory_space<vmem>>)
        tpu.yield
      }) : () -> ()
      %add3A_140 = arith.constant 262144 : i32
      %add3A_141 = arith.addi %mul3A_81, %add3A_140 : i32
      %add3A_142 = arith.addi %add3A_141, %mul3A_136 : i32
      "tpu.region"() ({
        %run_scoped3A = tpu.sem_alloc : memref<!tpu.dma_semaphore, #tpu.memory_space<semaphore_mem>>
        %dma_start3A = tpu.memref_slice %arg4[%add3A_142] : memref<3145728xf32, #tpu.memory_space<hbm>> -> memref<8192xf32, #tpu.memory_space<hbm>>
        %dma_start3A_151 = tpu.memref_slice %arg4[%add3A_142] : memref<3145728xf32, #tpu.memory_space<hbm>> -> memref<8192xf32, #tpu.memory_space<hbm>>
        tpu.enqueue_dma source(%dma_start3A_151 : memref<8192xf32, #tpu.memory_space<hbm>>) target(%arg9 : memref<8192xf32, #tpu.memory_space<vmem>>) target_semaphore(%run_scoped3A : memref<!tpu.dma_semaphore, #tpu.memory_space<semaphore_mem>>)
        %dma_wait3A = tpu.memref_slice %arg4[%add3A_142] : memref<3145728xf32, #tpu.memory_space<hbm>> -> memref<8192xf32, #tpu.memory_space<hbm>>
        %dma_wait3A_152 = tpu.memref_slice %arg4[%add3A_142] : memref<3145728xf32, #tpu.memory_space<hbm>> -> memref<8192xf32, #tpu.memory_space<hbm>>
        tpu.wait_dma2 semaphore(%run_scoped3A : memref<!tpu.dma_semaphore, #tpu.memory_space<semaphore_mem>>) src(%dma_wait3A_152 : memref<8192xf32, #tpu.memory_space<hbm>>) dst(%arg9 : memref<8192xf32, #tpu.memory_space<vmem>>)
        tpu.yield
      }) : () -> ()
      %scan3A_143 = arith.constant 0 : i32
      %scan3A_144 = arith.constant 0 : i32
      %scan3A_145 = arith.constant 256 : i32
      %scan3A_146 = arith.addi %scan3A_144, %scan3A_145 : i32
      %scan3A_147 = arith.constant 1 : i32
      %scan3A_148 = scf.for %scan3A_151 = %scan3A_144 to %scan3A_146 step %scan3A_147 iter_args(%scan3A_152 = %scan3A_143) -> (i32)  : i32 {
        %mul3A_153 = arith.constant 2 : i32
        %mul3A_154 = arith.muli %scan3A_151, %mul3A_153 : i32
        %mul3A_155 = arith.constant 16 : i32
        %mul3A_156 = arith.muli %mul3A_154, %mul3A_155 : i32
        %get3A = arith.index_cast %mul3A_156 : i32 to index
        %get3A_157 = tpu.vector_load %arg8[%get3A] {strides = array<i32>} : memref<8192xi32, #tpu.memory_space<vmem>>, vector<16xi32>,
        %get3A_158 = arith.index_cast %mul3A_156 : i32 to index
        %get3A_159 = tpu.vector_load %arg9[%get3A_158] {strides = array<i32>} : memref<8192xf32, #tpu.memory_space<vmem>>, vector<16xf32>,
        %shift_right_arithmetic3A_160 = arith.constant 15 : i32
        %shift_right_arithmetic3A_161 = vector.broadcast %shift_right_arithmetic3A_160 : i32 to vector<16xi32>
        %shift_right_arithmetic3A_162 = arith.shrsi %get3A_157, %shift_right_arithmetic3A_161 : vector<16xi32>
        %eq3A = vector.broadcast %and3A_73 : i32 to vector<16xi32>
        %eq3A_163 = arith.cmpi eq, %shift_right_arithmetic3A_162, %eq3A : vector<16xi32>
        %and3A_164 = arith.constant 32767 : i32
        %and3A_165 = vector.broadcast %and3A_164 : i32 to vector<16xi32>
        %and3A_166 = arith.andi %get3A_157, %and3A_165 : vector<16xi32>
        %add3A_167 = arith.addi %mul3A_136, %mul3A_156 : i32
        %add3A_168 = vector.broadcast %add3A_167 : i32 to vector<16xi32>
        %add3A_169 = arith.addi %add3A_168, %iota3A : vector<16xi32>
        %gather3A = tpu.vector_load_idx %arg11[%and3A_166] : memref<32768xi32, #tpu.memory_space<vmem>>[vector<16xi32>], vector<16xi32>,
        %eq3A_170 = arith.cmpi eq, %gather3A, %add3A_169 : vector<16xi32>
        %and3A_171 = arith.andi %eq3A_163, %eq3A_170 : vector<16xi1>
        tpu.vector_store_idx %arg10[%and3A_166], %get3A_159 masked %and3A_171 : memref<32768xf32, #tpu.memory_space<vmem>>[vector<16xi32>], vector<16xf32>, vector<16xi1>
        %mul3A_172 = arith.constant 2 : i32
        %mul3A_173 = arith.muli %scan3A_151, %mul3A_172 : i32
        %mul3A_174 = arith.constant 16 : i32
        %mul3A_175 = arith.muli %mul3A_173, %mul3A_174 : i32
        %add3A_176 = arith.constant 16 : i32
        %add3A_177 = arith.addi %mul3A_175, %add3A_176 : i32
        %get3A_178 = arith.index_cast %add3A_177 : i32 to index
        %get3A_179 = tpu.vector_load %arg8[%get3A_178] {strides = array<i32>} : memref<8192xi32, #tpu.memory_space<vmem>>, vector<16xi32>,
        %get3A_180 = arith.index_cast %add3A_177 : i32 to index
        %get3A_181 = tpu.vector_load %arg9[%get3A_180] {strides = array<i32>} : memref<8192xf32, #tpu.memory_space<vmem>>, vector<16xf32>,
        %shift_right_arithmetic3A_182 = arith.constant 15 : i32
        %shift_right_arithmetic3A_183 = vector.broadcast %shift_right_arithmetic3A_182 : i32 to vector<16xi32>
        %shift_right_arithmetic3A_184 = arith.shrsi %get3A_179, %shift_right_arithmetic3A_183 : vector<16xi32>
        %eq3A_185 = vector.broadcast %and3A_73 : i32 to vector<16xi32>
        %eq3A_186 = arith.cmpi eq, %shift_right_arithmetic3A_184, %eq3A_185 : vector<16xi32>
        %and3A_187 = arith.constant 32767 : i32
        %and3A_188 = vector.broadcast %and3A_187 : i32 to vector<16xi32>
        %and3A_189 = arith.andi %get3A_179, %and3A_188 : vector<16xi32>
        %add3A_190 = arith.addi %mul3A_136, %add3A_177 : i32
        %add3A_191 = vector.broadcast %add3A_190 : i32 to vector<16xi32>
        %add3A_192 = arith.addi %add3A_191, %iota3A : vector<16xi32>
        %gather3A_193 = tpu.vector_load_idx %arg11[%and3A_189] : memref<32768xi32, #tpu.memory_space<vmem>>[vector<16xi32>], vector<16xi32>,
        %eq3A_194 = arith.cmpi eq, %gather3A_193, %add3A_192 : vector<16xi32>
        %and3A_195 = arith.andi %eq3A_186, %eq3A_194 : vector<16xi1>
        tpu.vector_store_idx %arg10[%and3A_189], %get3A_181 masked %and3A_195 : memref<32768xf32, #tpu.memory_space<vmem>>[vector<16xi32>], vector<16xf32>, vector<16xi1>
        %scan3A_196 = arith.constant 0 : i32
        scf.yield %scan3A_196 : i32
      }
      %scan3A_149 = arith.constant 256 : i32
      %scan3A_150 = arith.constant 0 : i32
      scf.yield %scan3A_150 : i32
    }
    %scan3A_130 = arith.constant 16 : i32
    %add3A_131 = arith.constant 524288 : i32
    %add3A_132 = arith.addi %mul3A_121, %add3A_131 : i32
    "tpu.region"() ({
      %run_scoped3A = tpu.sem_alloc : memref<!tpu.dma_semaphore, #tpu.memory_space<semaphore_mem>>
      %dma_start3A = tpu.memref_slice %arg6[%add3A_132] : memref<6291456xf32, #tpu.memory_space<hbm>> -> memref<32768xf32, #tpu.memory_space<hbm>>
      %dma_start3A_133 = tpu.memref_slice %arg6[%add3A_132] : memref<6291456xf32, #tpu.memory_space<hbm>> -> memref<32768xf32, #tpu.memory_space<hbm>>
      tpu.enqueue_dma source(%arg10 : memref<32768xf32, #tpu.memory_space<vmem>>) target(%dma_start3A_133 : memref<32768xf32, #tpu.memory_space<hbm>>) target_semaphore(%run_scoped3A : memref<!tpu.dma_semaphore, #tpu.memory_space<semaphore_mem>>)
      %dma_wait3A = tpu.memref_slice %arg6[%add3A_132] : memref<6291456xf32, #tpu.memory_space<hbm>> -> memref<32768xf32, #tpu.memory_space<hbm>>
      %dma_wait3A_134 = tpu.memref_slice %arg6[%add3A_132] : memref<6291456xf32, #tpu.memory_space<hbm>> -> memref<32768xf32, #tpu.memory_space<hbm>>
      tpu.wait_dma2 semaphore(%run_scoped3A : memref<!tpu.dma_semaphore, #tpu.memory_space<semaphore_mem>>) src(%arg10 : memref<32768xf32, #tpu.memory_space<vmem>>) dst(%dma_wait3A_134 : memref<32768xf32, #tpu.memory_space<hbm>>)
      tpu.yield
    }) : () -> ()
    return
  }
}

module attributes {stable_mosaic.version = 14 : i64} {
  func.func @_pix_body(%arg0: i32, %arg1: memref<4x1024x128xf32, #tpu.memory_space<vmem>>, %arg2: memref<1x1024x128xi32, #tpu.memory_space<vmem>>) attributes {dimension_semantics = [#tpu.dimension_semantics<arbitrary>], iteration_bounds = array<i64: 8>, scalar_prefetch = 0 : i64, scratch_operands = 0 : i64, tpu.core_type = #tpu.core_type<tc>, window_params = [{transform_indices = @transform_0, window_bounds = array<i64: 4, 1024, 128>}, {transform_indices = @transform_1, window_bounds = array<i64: 1, 1024, 128>}]} {
    %get3A = arith.constant 0 : index
    %get3A_0 = arith.constant 0 : index
    %get3A_1 = arith.constant 0 : index
    %get3A_2 = vector.load %arg1[%get3A, %get3A_0, %get3A_1] : memref<4x1024x128xf32, #tpu.memory_space<vmem>>, vector<1x1024x128xf32>
    %get3A_3 = vector.shape_cast %get3A_2 : vector<1x1024x128xf32> to vector<1024x128xf32>
    %get3A_4 = arith.constant 1 : index
    %get3A_5 = arith.constant 0 : index
    %get3A_6 = arith.constant 0 : index
    %get3A_7 = vector.load %arg1[%get3A_4, %get3A_5, %get3A_6] : memref<4x1024x128xf32, #tpu.memory_space<vmem>>, vector<1x1024x128xf32>
    %get3A_8 = vector.shape_cast %get3A_7 : vector<1x1024x128xf32> to vector<1024x128xf32>
    %mul3A = arith.constant 5.120000e+02 : f32
    %mul3A_9 = vector.broadcast %mul3A : f32 to vector<1024x128xf32>
    %mul3A_10 = arith.mulf %get3A_3, %mul3A_9 : vector<1024x128xf32>
    %convert_element_type3A = arith.fptosi %mul3A_10 : vector<1024x128xf32> to vector<1024x128xi32>
    %min3A = arith.constant 511 : i32
    %min3A_11 = vector.broadcast %min3A : i32 to vector<1024x128xi32>
    %min3A_12 = arith.minsi %convert_element_type3A, %min3A_11 : vector<1024x128xi32>
    %mul3A_13 = arith.constant 5.120000e+02 : f32
    %mul3A_14 = vector.broadcast %mul3A_13 : f32 to vector<1024x128xf32>
    %mul3A_15 = arith.mulf %get3A_8, %mul3A_14 : vector<1024x128xf32>
    %convert_element_type3A_16 = arith.fptosi %mul3A_15 : vector<1024x128xf32> to vector<1024x128xi32>
    %min3A_17 = arith.constant 511 : i32
    %min3A_18 = vector.broadcast %min3A_17 : i32 to vector<1024x128xi32>
    %min3A_19 = arith.minsi %convert_element_type3A_16, %min3A_18 : vector<1024x128xi32>
    %shift_left3A = arith.constant 9 : i32
    %shift_left3A_20 = vector.broadcast %shift_left3A : i32 to vector<1024x128xi32>
    %shift_left3A_21 = arith.shli %min3A_19, %shift_left3A_20 : vector<1024x128xi32>
    %or3A = arith.ori %shift_left3A_21, %min3A_12 : vector<1024x128xi32>
    %swap3A = arith.constant 0 : index
    %swap3A_22 = arith.constant 0 : index
    %swap3A_23 = arith.constant 0 : index
    %swap3A_24 = vector.load %arg2[%swap3A, %swap3A_22, %swap3A_23] : memref<1x1024x128xi32, #tpu.memory_space<vmem>>, vector<1x1024x128xi32>
    %swap3A_25 = vector.shape_cast %swap3A_24 : vector<1x1024x128xi32> to vector<1024x128xi32>
    %swap3A_26 = vector.shape_cast %or3A : vector<1024x128xi32> to vector<1x1024x128xi32>
    tpu.vector_store %arg2[%swap3A, %swap3A_22, %swap3A_23], %swap3A_26 {strides = array<i32>} : memref<1x1024x128xi32, #tpu.memory_space<vmem>>, vector<1x1024x128xi32>,
    return
  }
  func.func @transform_0(%arg0: i32) -> (i32, i32, i32) {
    %c0_i32 = arith.constant 0 : i32
    %c0_i32_0 = arith.constant 0 : i32
    %c0_i32_1 = arith.constant 0 : i32
    return %arg0, %c0_i32, %c0_i32_0 : i32, i32, i32
  }
  func.func @transform_1(%arg0: i32) -> (i32, i32, i32) {
    %c0_i32 = arith.constant 0 : i32
    %c0_i32_0 = arith.constant 0 : i32
    %c0_i32_1 = arith.constant 0 : i32
    return %arg0, %c0_i32, %c0_i32_0 : i32, i32, i32
  }
}

</mosaic_0001>

<sc_bundles>
// kernel: kernel.4.cloned.1.call-start
scs
__scs_entry_jumppad:
0x0: {  	(pc) =	sbr.rel $0x88, $3  }
0x1: {  	(tag) =	ssettag $0x0;
	lr =	simm.s32 $0x1  }
0x2: {  	[smem:$0x3F9F] =	sst lr;
	_ =	strace $0xD0000000  }
0x3: {  	_ = 	snop  }
0x4: {  	_ = 	snop  }
0x5: {  	_ = 	snop  }
0x6: {  	_ = 	snop  }
0x7: {  	_ = 	snop  }
__scs_overlays_trampoline_lowered:
0x8: {  	[smem:$0x3FAE] =	sst s0  }
0x9: {  	[smem:$0x3FAF] =	sst s1  }
0xa: {  	[smem:$0x3FB0] =	sst s2  }
0xb: {  	[smem:$0x3FB1] =	sst s3  }
0xc: {  	[smem:$0x3FB2] =	sst s4  }
0xd: {  	[smem:$0x3FB3] =	sst s5  }
0xe: {  	[smem:$0x3FB4] =	sst s6  }
0xf: {  	[smem:$0x3FB5] =	sst s7  }
0x10: {  	[smem:$0x3FB6] =	sst s8  }
0x11: {  	[smem:$0x3FB7] =	sst s9;
	s0 =	simm.s32 @!p0 $0x0  }
0x12: {  	s1 =	sld [smem:$0x3F9D];
	s0 =	simm.s32 @p0 $0x1  }
0x13: {  	[smem:$0x3FB8] =	sst s0;
	s0 =	simm.s32 @!p1 $0x0  }
0x14: {  	s2 =	sld [smem:$0x3F9C];
	s0 =	simm.s32 @p1 $0x1  }
0x15: {  	[smem:$0x3FB9] =	sst s0;
	s0 =	simm.s32 @!p2 $0x0  }
0x16: {  	s3 =	sld [smem:$0x3FDB];
	s0 =	simm.s32 @p2 $0x1  }
0x17: {  	s4 =	simm.s32 $0x1BF5;
	[smem:$0x3FBB] =	sst s0  }
0x18: {  	s0 =	sld [smem:$0x3F9E];
	_ =	swait.ge [sflag:s4], $0x0  }
0x19: {  	s7 =	sld [smem:$0x3F9F]  }
0x1a: {  	s8 =	sadd.s32 $0xFFFFE003, lr  }
0x1b: {  	s9 =	sadd.s32 $0xFFFFFEF7, lr;
	s5 =	simm.s32 $0xFFFFFFFF;
	p2 =	slt.u32 s8, $0xFFFFF086  }
0x1c: {  	p1 =	slt.u32 s9, $0xF7A;
	s5 =	simm.s32 @!p2 $0x0  }
0x1d: {  	s5 =	simm.s32 @p1 $0x1;
	p0 =	seq.s32 s7, s2  }
0x1e: {  	s7 =	smul.u32 @!p0 $0xF7A, s2;
	p2 =	seq.s32 @!p0 s5, $0x0  }
0x1f: {  	s9 =	smul.u32 $0xF7A, s1;
	s8 =	simm.s32 @!p0 $0x1BF5;
	p2 =	por !p2, p0  }
0x20: {  	[sflag:s8] =	ssyncset.s32 @!p0 $0xFFFFF086;
	s6 =	sadd.s32 @!p0 s3, s7;
	s7 =	simm.s32 @!p0 $0x108  }
0x21: {  	s3 =	sadd.s32 s3, s9;
	s6 =	sadd.s32 @!p0 $0x88, s6;
	s7 =	simm.s32 @p2 $0x1082  }
0x22: {  	[simem:s7], [sflag:s8] =	dma.local @!p0 [hbm:s6], $0xF7A  }
0x23: {  	s9 =	sor.u32 $0xD0000000, s2;
	s6 =	simm.s32 $0x108;
	_ =	swait.ge @!p0 [sflag:s8], $0x0  }
0x24: {  	s3 =	sadd.s32 $0x88, s3;
	s6 =	simm.s32 @!p1 $0x1082;
	[sflag:s4] =	ssyncset.s32 $0xFFFFF086  }
0x25: {  	[simem:s6], [sflag:s4] =	dma.local [hbm:s3], $0xF7A  }
0x26: {  	[smem:$0x3F9F] =	sst s1;
	(tag) =	ssettag s2;
	_ =	strace s9  }
0x27: {  	s1 =	sld [smem:$0x3FAF]  }
0x28: {  	s2 =	sld [smem:$0x3FB0]  }
0x29: {  	s4 =	sld [smem:$0x3FB2]  }
0x2a: {  	p0 =	seq.s32 s5, $0x0;
	s5 =	sld [smem:$0x3FB3]  }
0x2b: {  	s6 =	sld [smem:$0x3FB4]  }
0x2c: {  	s7 =	sld [smem:$0x3FB5]  }
0x2d: {  	s3 =	simm.s32 $0x108;
	s8 =	sld [smem:$0x3FB6]  }
0x2e: {  	s3 =	simm.s32 @!p0 $0x1082;
	s9 =	sld [smem:$0x3FB7]  }
0x2f: {  	lr =	sadd.s32 s0, s3;
	s0 =	sld [smem:$0x3FAE]  }
0x30: {  	s3 =	sld [smem:$0x3FB1]  }
0x31: {  	[smem:$0x3FBA] =	sst s10  }
0x32: {  	s10 =	sld [smem:$0x3FB8];
	_ =	sdelay $0x3  }
0x33: {  	p0 =	seq.s32 s10, $0x1;
	s10 =	sld [smem:$0x3FBA];
	_ =	sdelay $0x3  }
0x34: {  	[smem:$0x3FBA] =	sst s10  }
0x35: {  	s10 =	sld [smem:$0x3FB9];
	_ =	sdelay $0x3  }
0x36: {  	p1 =	seq.s32 s10, $0x1;
	s10 =	sld [smem:$0x3FBA];
	_ =	sdelay $0x3  }
0x37: {  	[smem:$0x3FBA] =	sst s10  }
0x38: {  	s10 =	sld [smem:$0x3FBB]  }
0x39: {  	_ = 	snop;
	(pc) =	sbr.ind lr, $3  }
0x3a: {  	_ = 	snop  }
0x3b: {  	_ = 	snop  }
0x3c: {  	p2 =	seq.s32 s10, $0x1;
	s10 =	sld [smem:$0x3FBA]  }
0x3d: {  	_ =	shalt  }
0x3e: {  	_ =	shalt  }
0x3f: {  	_ =	shalt  }
0x40: {  	_ =	shalt  }
0x41: {  	_ =	shalt  }
0x42: {  	_ =	shalt  }
0x43: {  	_ =	shalt  }
0x44: {  	_ =	shalt  }
0x45: {  	_ =	shalt  }
0x46: {  	_ =	shalt  }
0x47: {  	_ =	shalt  }
0x48: {  	_ =	shalt  }
0x49: {  	_ =	shalt  }
0x4a: {  	_ =	shalt  }
0x4b: {  	_ =	shalt  }
0x4c: {  	_ =	shalt  }
0x4d: {  	_ =	shalt  }
0x4e: {  	_ =	shalt  }
0x4f: {  	_ =	shalt  }
0x50: {  	_ =	shalt  }
0x51: {  	_ =	shalt  }
0x52: {  	_ =	shalt  }
0x53: {  	_ =	shalt  }
0x54: {  	_ =	shalt  }
0x55: {  	_ =	shalt  }
0x56: {  	_ =	shalt  }
0x57: {  	_ =	shalt  }
0x58: {  	_ =	shalt  }
0x59: {  	_ =	shalt  }
0x5a: {  	_ =	shalt  }
0x5b: {  	_ =	shalt  }
0x5c: {  	_ =	shalt  }
0x5d: {  	_ =	shalt  }
0x5e: {  	_ =	shalt  }
0x5f: {  	_ =	shalt  }
0x60: {  	_ =	shalt  }
0x61: {  	_ =	shalt  }
0x62: {  	_ =	shalt  }
0x63: {  	_ =	shalt  }
0x64: {  	_ =	shalt  }
0x65: {  	_ =	shalt  }
0x66: {  	_ =	shalt  }
0x67: {  	_ =	shalt  }
0x68: {  	_ =	shalt  }
0x69: {  	_ =	shalt  }
0x6a: {  	_ =	shalt  }
0x6b: {  	_ =	shalt  }
0x6c: {  	_ =	shalt  }
0x6d: {  	_ =	shalt  }
0x6e: {  	_ =	shalt  }
0x6f: {  	_ =	shalt  }
0x70: {  	_ =	shalt  }
0x71: {  	_ =	shalt  }
0x72: {  	_ =	shalt  }
0x73: {  	_ =	shalt  }
0x74: {  	_ =	shalt  }
0x75: {  	_ =	shalt  }
0x76: {  	_ =	shalt  }
0x77: {  	_ =	shalt  }
0x78: {  	_ =	shalt  }
0x79: {  	_ =	shalt  }
0x7a: {  	_ =	shalt  }
0x7b: {  	_ =	shalt  }
0x7c: {  	_ =	shalt  }
0x7d: {  	_ =	shalt  }
0x7e: {  	_ =	shalt  }
0x7f: {  	_ =	shalt  }
0x80: {  	_ =	shalt  }
0x81: {  	_ =	shalt  }
0x82: {  	_ =	shalt  }
0x83: {  	_ =	shalt  }
0x84: {  	_ =	shalt  }
0x85: {  	_ =	shalt  }
0x86: {  	_ =	shalt  }
0x87: {  	_ =	shalt  }
.Lfunc_end0:
.L_simem_size_0:
called_computation_lowered:
.L_overlay_start_0:
0x88: {  	s2 =	sld [smem:$0x3FD9]  }
0x89: {  	s3 =	sld [smem:$0x3FFE];
	_ =	sdelay $0x1  }
0x8a: {  	s1 =	srdreg.scid  }
0x8b: {  	s0 =	sand.u32 $0x1, s1  }
0x8c: {  	s14 =	sshll.u32 s0, $0xA;
	s2 =	sadd.s32 s3, s2  }
0x8d: {  	s2 =	sadd.s32 s2, s14  }
0x8e: {  	[smem:$0x3FC6] =	sst s2  }
0x8f: {  	_ = 	snop  }
0x90: {  	s2 =	sld [smem:$0x3FD0];
	_ =	sdelay $0x2  }
0x91: {  	s15 =	simm.s32 $0xA;
	s4 =	simm.s32 $0x10  }
0x92: {  	[smem:s4], [sflag:s15] =	dma.local [hbm:s2], $0x1  }
0x93: {  	_ =	swait.eq [sflag:s15], $0x1  }
0x94: {  	s16 =	sld [smem:$0x10];
	[sflag:s15] =	ssyncset.done $0x0  }
0x95: {  	s17 =	sld [smem:$0x11];
	[sflag:s15] =	ssyncadd.s32 $0xFFFFFFFF  }
0x96: {  	s18 =	sld [smem:$0x12];
	(tm) =	ssettm $0x1  }
0x97: {  	s5 =	sld [smem:$0x3FFB];
	_ =	sdelay $0x3  }
0x98: {  	_ =	strace s5  }
0x99: {  	s5 =	sld [smem:$0x3FFC];
	_ =	sdelay $0x3  }
0x9a: {  	_ =	strace s5  }
0x9b: {  	s5 =	sld [smem:$0x3FFD];
	_ =	sdelay $0x3  }
0x9c: {  	_ =	strace s5  }
0x9d: {  	_ =	strace $0x8FFFFFFF  }
0x9e: {  	s19 =	sld [smem:$0x3FDB];
	_ =	sdelay $0x1  }
0x9f: {  	s6 =	simm.s32 $_scs_section_size  }
0xa0: {  	s7 =	simm.s32 $_size__tile_overlayer_lowered;
	s8 =	simm.s32 $_tile_overlayer_lowered  }
0xa1: {  	s22 =	simm.s32 $0x1BFF;
	s21 =	sshll.u32 s8, $0x1;
	s5 =	sadd.s32 s6, s19  }
0xa2: {  	s9 =	simm.s32 $0x0;
	s20 =	sshll.u32 s7, $0x1;
	s7 =	sadd.s32 s21, s5  }
0xa3: {  	[timem:s9], [sflag:s22] =	dma.local [hbm:s7], s20  }
0xa4: {  	_ =	swait.ge [sflag:s22], s20  }
0xa5: {  	s6 =	ssub.s32 $0x0, s20;
	[sflag:s22] =	ssyncset.done $0x0  }
0xa6: {  	[sflag:s22] =	ssyncadd.s32 s6;
	_ =	sdelay $0x1  }
0xa7: {  	s23 =	simm.s32 $0x1B8B  }
0xa8: {  	_ =	swait.ge [sflag:s23], $0x1  }
0xa9: {  	[sflag:s23] =	ssyncset.done $0x0  }
0xaa: {  	s25 =	simm.s32 $0x1B8E;
	s24 =	sld [smem:$0x3FFE];
	[sflag:s23] =	ssyncadd.s32 $0xFFFFFFFF  }
0xab: {  	s26 =	simm.s32 $execute0_lowered;
	[smem:$0x3FD2] =	sst s25  }
0xac: {  	s7 =	sshll.u32 s26, $0x1;
	_ =	strace $0x80000046;
	[dreg:$0x1] =	wrdreg $0xFFFFFFFF  }
0xad: {  	s28 =	simm.s32 $_size_execute0_lowered;
	s5 =	sadd.s32 s5, s7;
	[dreg:$0x0] =	wrdreg $0x0  }
0xae: {  	s7 =	sshll.u32 s28, $0x1;
	[dreg:$0x2] =	wrdreg s5  }
0xaf: {  	[dreg:$0x3] =	wrdreg s7  }
0xb0: {  	[dreg:$0x4] =	wrdreg $0xC0  }
0xb1: {  	_ =	task [dreg:s9], $0x5FFFF  }
0xb2: {  	[dreg:$0x1] =	wrdreg $0xFFFFFFFF  }
0xb3: {  	[dreg:$0x0] =	wrdreg $0x60  }
0xb4: {  	[dreg:$0x2] =	wrdreg s24  }
0xb5: {  	[dreg:$0x3] =	wrdreg s16  }
0xb6: {  	[dreg:$0x4] =	wrdreg s18  }
0xb7: {  	[dreg:$0x5] =	wrdreg s17  }
0xb8: {  	[dreg:$0x6] =	wrdreg $0x9  }
0xb9: {  	_ =	task.clear_ibuf [dreg:s9], $0x7FFFF;
	_ =	strace $0x90000046  }
0xba: {  	s29 =	simm.s32 $0x9;
	_ =	strace $0x80000048  }
0xbb: {  	_ =	swait.ge [sflag:s29], $0x1  }
0xbc: {  	[sflag:s29] =	ssyncadd.s32 $0xFFFFFFFF  }
0xbd: {  	_ =	strace $0x90000048  }
0xbe: {  	_ =	sfence  }
0xbf: {  	s30 =	sld [smem:$0x0];
	_ =	sdelay $0x2  }
0xc0: {  	s31 =	sshll.u32 s1, $0xD;
	s1 =	sshrl.u32 s1, $0x2  }
0xc1: {  	s3 =	sand.u32 $0x4000, s31;
	s1 =	sadd.s32 s1, s30  }
0xc2: {  	s0 =	sor.u32 s3, s0;
	s1 =	sshll.u32 s1, $0x11  }
0xc3: {  	s0 =	sor.u32 s1, s0  }
0xc4: {  	s0 =	sadd.s32 $0x8F2B, s0  }
0xc5: {  	[sflag:s0] =	ssyncadd.remote.s32 $0x1  }
0xc6: {  	_ =	sfence.sel $0xFFFF  }
0xc7: {  	[dreg:$0x0] =	wrdreg $0xFFFFFFFF;
	(pc) =	sbr.abs _section_cstart, $3  }
0xc8: {  	[dreg:$0x1] =	wrdreg $0xFFFFFFFF  }
0xc9: {  	_ =	task.clear_ibuf [dreg:s9], $0x2FFFF;
	_ =	strace $0x9FFFFFFF  }
0xca: {  	(tm) =	ssettm $0x7FFFFFFF  }
0xcb: {  	_ =	shalt  }
tec
execute0_lowered:
.L_overlay_start_1:
0x0: {  	(tag) =	ssettag $0x1  }
0x1: {  	s0 =	rddreg [dreg:$0x0]  }
0x2: {  	s1 =	rddreg [dreg:$0x1]  }
0x3: {  	s2 =	rddreg [dreg:$0x2]  }
0x4: {  	s3 =	rddreg [dreg:$0x3];
	s4 =	simm.s32 $0x0;
	s5 =	srdreg.scid  }
0x5: {  	s10 =	stileid.u32;
	s28 =	simm.s32 $0x1;
	s29 =	simm.s32 $0x2000  }
0x6: {  	s30 =	simm.s32 $0x4000;
	s31 =	simm.s32 $0x14000;
	[smem:$0x7FF] =	sst s4  }
0x7: {  	s4 =	sadd.s32 $0xC00, s0;
	s5 =	sand.u32 $0x1, s5;
	s9 =	sadd.s32 $0xE0C00, s0  }
0x8: {  	s8 =	sshll.u32 s10, $0x1;
	s10 =	sshrl.u32 s10, $0x2;
	_ =	strace $0x80000047  }
0x9: {  	s6 =	ssub.s32 $0x2, s5;
	s11 =	sor.u32 s5, s8;
	s5 =	smul.u32 $0x60000, s10  }
0xa: {  	s12 =	smul.u32 $0x18, s10;
	s8 =	sadd.s32 $0x68C00, s0;
	s7 =	sshrl.u32 s6, $0x1  }
0xb: {  	s15 =	sand.u32 $0x7, s11;
	s26 =	sor.u32 $0x20, s11;
	s14 =	sshll.u32 s11, $0xC  }
0xc: {  	s13 =	ssub.s32 s6, s7;
	s6 =	sshll.u32 s10, $0x13;
	s7 =	sshll.u32 s10, $0x11  }
0xd: {  	s16 =	sor.u32 s12, s15;
	s17 =	sshrl.u32 s26, $0x3;
	s18 =	sadd.s32 s2, s14  }
0xe: {  	s10 =	sadd.s32 s9, s14;
	s11 =	sadd.s32 $0x20000, s5;
	s14 =	sadd.s32 $0x40000, s5  }
0xf: {  	s0 =	sshll.u32 s26, $0xC;
	[dreg:$0x5] =	wrdreg s18;
	s19 =	sshll.u32 s16, $0xC  }
0x10: {  	s16 =	smul.u32 $0x18, s17;
	[dreg:$0x6] =	wrdreg s10;
	s2 =	sadd.s32 s2, s0  }
0x11: {  	s0 =	sadd.s32 s9, s0;
	s9 =	simm.s32 $0x0;
	[dreg:$0x9] =	wrdreg s2  }
0x12: {  	s12 =	sadd.s32 s3, s19;
	[dreg:$0xa] =	wrdreg s0;
	s19 =	smul.u32 $0x60000, s17  }
0x13: {  	s0 =	simm.s32 $0xC000;
	s2 =	simm.s32 $0x16800;
	s20 =	sadd.s32 $0x8000, s12  }
0x14: {  	s21 =	sor.u32 s15, s16;
	s22 =	sadd.s32 $0x10000, s12;
	[dreg:$0x7] =	wrdreg s20  }
0x15: {  	s16 =	sshll.u32 s17, $0x13;
	[dreg:$0x8] =	wrdreg s22;
	s10 =	sshll.u32 s21, $0xC  }
0x16: {  	s20 =	sshll.u32 s17, $0x11;
	s23 =	sand.u32 $0x1FFFF000, s10;
	s25 =	sadd.s32 s3, s10  }
0x17: {  	s24 =	sadd.s32 s3, s23;
	[dreg:$0xb] =	wrdreg s25;
	s25 =	sadd.s32 $0x20000, s19  }
0x18: {  	v1 =	vimm.f32 $+Inf;
	v2 =	vimm.s32 $0x20000;
	vm0 =	vmxor vm0, vm0;
	s3 =	simm.s32 $0x14800;
	s26 =	sadd.s32 $0x8000, s24;
	s23 =	sadd.s32 $0x10000, s24  }
0x19: {  	v3 =	vlaneseq.u32;
	v4 =	vimm.f32 $0.0e+00;
	v0 =	vmov s15;
	s24 =	smax.u32 s13, $0x1;
	[dreg:$0xc] =	wrdreg s26;
	s26 =	sadd.s32 $0x40000, s19  }
.LBB2_1:
0x1a: {  	s10 =	simm.s32 $0x40;
	s13 =	simm.s32 $0x0  }
.LBB2_2:
0x1b: {  	p0 =	sne.s32 s10, $0x1FFC0;
	[tilespmem:s13+$0x4000] =	vst v1;
	s15 =	smov.u32 s10;
	s10 =	sadd.s32 $0x40, s10  }
.Ltmp0:
0x1c: {  	[tilespmem:s13+$0xC000] =	vst v2;
	(pc) =	sbr.rel @p0 .LBB2_2-.Ltmp0, $2  }
0x1d: {  	_ =	sdelay $0x2  }
0x1e: {  	s13 =	sshra.s32 s15, $0x2  }
.Ltmp1:
0x1f: {  	(pc) =	sbr.rel .LBB2_4-.Ltmp1, $3  }
0x20: {  	_ =	sdelay $0x1  }
0x21: {  	[tilespmem:s13+$0x4000] =	vst v1  }
0x22: {  	s10 =	simm.s32 $0x0;
	[tilespmem:s13+$0xC000] =	vst v2;
	s13 =	simm.s32 $0x0;
	s15 =	simm.s32 $0x0  }
.LBB2_8:
0x23: {  	s15 =	sadd.s32 $0x1, s15  }
0x24: {  	p0 =	sne.s32 s15, $0x10  }
.Ltmp2:
0x25: {  	_ = 	snop;
	(pc) =	sbr.rel @!p0 .LBB2_9-.Ltmp2, $2  }
0x26: {  	_ =	sdelay $0x2  }
0x27: {  	s13 =	sadd.s32 $0x2000, s13  }
.LBB2_4:
0x28: {  	s17 =	sshll.u32 s15, $0xD  }
0x29: {  	s18 =	sadd.s32 s7, s17  }
0x2a: {  	s18 =	sshrl.u32 s18, $0x3  }
0x2b: {  	s18 =	sadd.s32 s1, s18  }
0x2c: {  	[tilespmem:s10], [sflag:$0x1] =	stream.linear.gather [hbm4b:s18+s10], $0x2000, $0x38;
	[tilespmem:$0x1E800] =	vst v63  }
0x2d: {  	s22 =	sadd.s32 s6, s17;
	_ =	swait.ge [sflag:s28], $0x2000  }
0x2e: {  	s18 =	sshrl.u32 s22, $0x3;
	[sflag:s28] =	ssyncset.done $0x0  }
0x2f: {  	s18 =	sadd.s32 s18, s8;
	[sflag:s28] =	ssyncadd.s32 $0xFFFFE000  }
0x30: {  	[tilespmem:s29], [sflag:$0x1] =	stream.linear.gather [hbm4b:s18+s10], $0x2000, $0x38;
	[tilespmem:$0x1E800] =	vst v63  }
0x31: {  	_ =	swait.ge [sflag:s28], $0x2000  }
0x32: {  	[sflag:s28] =	ssyncset.done $0x0  }
0x33: {  	s21 =	simm.s32 $0x0;
	vm1 =	vmmov vm0;
	s18 =	smov.u32 s13;
	[sflag:s28] =	ssyncadd.s32 $0xFFFFE000  }
.LBB2_5:
0x34: {  	s22 =	sshra.s32 s21, $0x2  }
0x35: {  	v5 =	vld [tilespmem:s22+$0x0];
	_ =	sdelay $0x4  }
0x36: {  	v6 =	vand.u32 $0x7FFF, v5;
	_ =	sdelay $0x3  }
0x37: {  	v7 =	vld [tilespmem:s22+$0x2000]  }
0x38: {  	v8 =	vld.idx.msk [tilespmem:v6+s30+$0x0], $0xffff;
	_ =	sdelay $0x3  }
0x39: {  	v9 =	vshra.s32 v5, $0xF  }
0x3a: {  	vm2 =	veq.s32 v9, v0;
	vm3 =	vlt.f32 v7, v8  }
0x3b: {  	vm2 =	vmand vm2, vm3  }
0x3c: {  	v5 =	vand.u32 $0x7FF, v5;
	_ =	sdelay $0x4  }
0x3d: {  	[tilespmem:v5+s31+$0x0] =	vst.idx.msk vm2, v3  }
0x3e: {  	v5 =	vld.idx.msk [tilespmem:v5+s31+$0x0], $0xffff;
	_ =	sdelay $0x4  }
0x3f: {  	vm3 =	veq.s32 v5, v3  }
0x40: {  	vm3 =	vmand vm2, vm3;
	_ =	sdelay $0x5  }
0x41: {  	v5 =	vor.u32 s18, v3;
	[tilespmem:v6+s30+$0x0] =	vst.idx.msk vm3, v7  }
0x42: {  	[tilespmem:v6+s0+$0x0] =	vst.idx.msk vm3, v5  }
0x43: {  	v5 =	vld [tilespmem:s22+$0x10];
	_ =	sdelay $0x4  }
0x44: {  	v6 =	vand.u32 $0x7FFF, v5;
	_ =	sdelay $0x3  }
0x45: {  	v7 =	vld [tilespmem:s22+$0x2010]  }
0x46: {  	v62 =	vld.idx.msk [tilespmem:v6+s30+$0x0], $0xffff;
	_ =	sdelay $0x3  }
0x47: {  	v63 =	vshra.s32 v5, $0xF  }
0x48: {  	vm4 =	veq.s32 v63, v0;
	vm5 =	vlt.f32 v7, v62  }
0x49: {  	vm4 =	vmand vm4, vm5  }
0x4a: {  	v5 =	vand.u32 $0x7FF, v5;
	_ =	sdelay $0x4  }
0x4b: {  	[tilespmem:v5+s31+$0x0] =	vst.idx.msk vm4, v3  }
0x4c: {  	v5 =	vld.idx.msk [tilespmem:v5+s31+$0x0], $0xffff;
	_ =	sdelay $0x4  }
0x4d: {  	vm15 =	veq.s32 v5, v3  }
0x4e: {  	vm5 =	vmand vm4, vm15;
	_ =	sdelay $0x1  }
0x4f: {  	p0 =	seq.s32 s21, $0x7F80  }
.Ltmp3:
0x50: {  	_ = 	snop;
	(pc) =	sbr.rel @!p0 .LBB2_5-.Ltmp3, $4  }
0x51: {  	_ = 	snop  }
0x52: {  	vm2 =	vmxor vm2, vm3;
	s22 =	sadd.s32 $0x10, s18;
	vm3 =	vmxor vm4, vm5  }
0x53: {  	v5 =	vor.u32 s22, v3;
	vm2 =	vmor vm2, vm3;
	[tilespmem:v6+s30+$0x0] =	vst.idx.msk vm5, v7  }
0x54: {  	s21 =	sadd.s32 $0x80, s21;
	s18 =	sadd.s32 $0x20, s18;
	vm1 =	vmor vm1, vm2;
	[tilespmem:v6+s0+$0x0] =	vst.idx.msk vm5, v5  }
0x55: {  	v5 =	vsel vm1, $0x3F800000, v4  }
0x56: {  	(xrf0) =	vmax.scan.msk.f32 $0xffff, v5;
	_ =	sdelay $0x5  }
0x57: {  	v5, _, _ =	vpop (xrf0)  }
0x58: {  	(v2sf) =	vpush v5, $0xF;
	_ =	sdelay $0xe  }
0x59: {  	s18 =	spop (v2sf)  }
0x5a: {  	p0 =	sgt.f32 s18, $0.0e+00  }
.Ltmp4:
0x5b: {  	_ = 	snop;
	(pc) =	sbr.rel @!p0 .LBB2_8-.Ltmp4, $2  }
0x5c: {  	_ =	sdelay $0x2  }
0x5d: {  	vm1 =	vmmov vm0;
	s18 =	simm.s32 $0x0  }
.LBB2_7:
0x5e: {  	s21 =	sshll.u32 s18, $0x5  }
0x5f: {  	v5 =	vld [tilespmem:s21+$0x0];
	_ =	sdelay $0x4  }
0x60: {  	v6 =	vand.u32 $0x7FFF, v5;
	_ =	sdelay $0x3  }
0x61: {  	v7 =	vld [tilespmem:s21+$0x2000]  }
0x62: {  	v8 =	vld.idx.msk [tilespmem:v6+s30+$0x0], $0xffff  }
0x63: {  	v9 =	vld.idx.msk [tilespmem:v6+s0+$0x0], $0xffff;
	_ =	sdelay $0x2  }
0x64: {  	s22 =	sor.u32 s17, s21  }
0x65: {  	v10 =	vor.u32 s22, v3  }
0x66: {  	vm2 =	veq.f32 v7, v8;
	vm3 =	vlt.s32 v10, v9  }
0x67: {  	v59 =	vshra.s32 v5, $0xF;
	vm4 =	vlt.f32 v7, v8;
	vm2 =	vmand vm2, vm3  }
0x68: {  	vm3 =	veq.s32 v59, v0;
	vm2 =	vmor vm4, vm2  }
0x69: {  	vm2 =	vmand vm3, vm2  }
0x6a: {  	v5 =	vand.u32 $0x7FF, v5;
	_ =	sdelay $0x4  }
0x6b: {  	[tilespmem:v5+s31+$0x0] =	vst.idx.msk vm2, v3  }
0x6c: {  	v5 =	vld.idx.msk [tilespmem:v5+s31+$0x0], $0xffff;
	_ =	sdelay $0x4  }
0x6d: {  	vm3 =	veq.s32 v5, v3  }
0x6e: {  	vm3 =	vmand vm3, vm2;
	_ =	sdelay $0x5  }
0x6f: {  	[tilespmem:v6+s30+$0x0] =	vst.idx.msk vm3, v7  }
0x70: {  	[tilespmem:v6+s0+$0x0] =	vst.idx.msk vm3, v10  }
0x71: {  	v5 =	vld [tilespmem:s21+$0x10];
	_ =	sdelay $0x4  }
0x72: {  	v6 =	vand.u32 $0x7FFF, v5;
	_ =	sdelay $0x3  }
0x73: {  	v7 =	vld [tilespmem:s21+$0x2010]  }
0x74: {  	v60 =	vld.idx.msk [tilespmem:v6+s30+$0x0], $0xffff  }
0x75: {  	v61 =	vld.idx.msk [tilespmem:v6+s0+$0x0], $0xffff;
	_ =	sdelay $0x1  }
0x76: {  	s21 =	sor.u32 $0x10, s21  }
0x77: {  	s21 =	sor.u32 s17, s21  }
0x78: {  	v62 =	vor.u32 s21, v3  }
0x79: {  	vm13 =	veq.f32 v7, v60;
	vm5 =	vlt.s32 v62, v61  }
0x7a: {  	v63 =	vshra.s32 v5, $0xF;
	vm14 =	vlt.f32 v7, v60;
	vm4 =	vmand vm13, vm5  }
0x7b: {  	vm6 =	veq.s32 v63, v0;
	vm4 =	vmor vm14, vm4  }
0x7c: {  	vm4 =	vmand vm6, vm4  }
0x7d: {  	v5 =	vand.u32 $0x7FF, v5;
	_ =	sdelay $0x4  }
0x7e: {  	[tilespmem:v5+s31+$0x0] =	vst.idx.msk vm4, v3  }
0x7f: {  	v5 =	vld.idx.msk [tilespmem:v5+s31+$0x0], $0xffff;
	_ =	sdelay $0x4  }
0x80: {  	vm15 =	veq.s32 v5, v3  }
0x81: {  	vm5 =	vmand vm15, vm4  }
0x82: {  	s18 =	sadd.s32 $0x1, s18;
	vm2 =	vmxor vm2, vm3;
	vm3 =	vmxor vm4, vm5  }
0x83: {  	p0 =	seq.s32 s18, $0x100;
	vm2 =	vmor vm2, vm3  }
0x84: {  	v5 =	vimm.f32 @p0 $0.0e+00;
	vm1 =	vmor vm1, vm2  }
0x85: {  	v5 =	vsel @p0 vm1, $0x3F800000, v5  }
0x86: {  	(xrf0) =	vmax.scan.msk.f32 @p0 $0xffff, v5;
	_ =	sdelay $0x5  }
0x87: {  	v5, _, _ =	vpop @p0 (xrf0)  }
0x88: {  	(v2sf) =	vpush @p0 v5, $0xF;
	_ =	sdelay $0xe  }
0x89: {  	s21 =	spop @p0 (v2sf)  }
0x8a: {  	p1 =	sgt.f32 @p0 s21, $0.0e+00;
	_ =	sdelay $0x1  }
0x8b: {  	p1 =	por !p0, p1  }
.Ltmp5:
0x8c: {  	_ = 	snop;
	(pc) =	sbr.rel @p1 .LBB2_7-.Ltmp5, $3  }
0x8d: {  	_ =	sdelay $0x1  }
0x8e: {  	vm2 =	vmxor @p0 vm2, vm2;
	[tilespmem:v6+s30+$0x0] =	vst.idx.msk vm5, v7  }
0x8f: {  	s18 =	simm.s32 @p0 $0x0;
	vm1 =	vmmov @p0 vm2;
	[tilespmem:v6+s0+$0x0] =	vst.idx.msk vm5, v62  }
.Ltmp6:
0x90: {  	_ = 	snop;
	(pc) =	sbr.rel .LBB2_8-.Ltmp6, $1  }
0x91: {  	_ =	sdelay $0x3  }
.LBB2_9:
0x92: {  	s10 =	simm.s32 $0x0  }
0x93: {  	v5 =	vld [tilespmem:s10+$0xC000];
	_ =	sdelay $0x1  }
0x94: {  	v6 =	vld [tilespmem:s10+$0x4000];
	_ =	sdelay $0x2  }
0x95: {  	vm1 =	vlt.s32 v5, $0x20000  }
0x96: {  	[tilespmem:s10+$0x16800] =	vst v4;
	v7 =	vnsel vm1, $0xFFFFFFFF, v5  }
0x97: {  	s15 =	simm.s32 $0x10;
	s13 =	simm.s32 $0x80;
	v5 =	vnsel vm1, $0x0, v6;
	[tilespmem:s10+$0xC000] =	vst v7  }
.LBB2_10:
0x98: {  	p0 =	sne.s32 s13, $0x1FFC0;
	v6 =	vld [tilespmem:s15+$0xC000];
	[tilespmem:s10+$0x4000] =	vst v5;
	s10 =	smov.u32 s15  }
0x99: {  	v5 =	vld [tilespmem:s10+$0x4000];
	[tilespmem:s10+$0x16800] =	vst v4;
	_ =	sdelay $0x1  }
.Ltmp7:
0x9a: {  	(pc) =	sbr.rel @p0 .LBB2_10-.Ltmp7, $4  }
0x9b: {  	_ = 	snop  }
0x9c: {  	vm1 =	vlt.s32 v6, $0x20000  }
0x9d: {  	v6 =	vnsel vm1, $0xFFFFFFFF, v6;
	v5 =	vnsel vm1, $0x0, v5  }
0x9e: {  	s15 =	sshra.s32 s13, $0x2;
	s13 =	sadd.s32 $0x40, s13;
	[tilespmem:s10+$0xC000] =	vst v6  }
0x9f: {  	v6 =	vld [tilespmem:s15+$0xC000]  }
0xa0: {  	[tilespmem:s10+$0x4000] =	vst v5  }
0xa1: {  	v5 =	vld [tilespmem:s15+$0x4000];
	_ =	sdelay $0x2  }
0xa2: {  	vm1 =	vlt.s32 v6, $0x20000  }
0xa3: {  	[tilespmem:s15+$0x16800] =	vst v4;
	v6 =	vnsel vm1, $0xFFFFFFFF, v6  }
0xa4: {  	v5 =	vnsel vm1, $0x0, v5;
	[tilespmem:s15+$0xC000] =	vst v6  }
0xa5: {  	s10 =	simm.s32 $0x0;
	s13 =	rddreg [dreg:$0x5];
	[tilespmem:s15+$0x4000] =	vst v5  }
0xa6: {  	[hbm4b:s13+s10] =	stream.linear.scatter [tilespmem:s30], [sflag:$0x1], $0x8000, $0x38;
	[tilespmem:$0x1E800] =	vst v63  }
0xa7: {  	_ =	swait.ge [sflag:s28], $0x8000  }
0xa8: {  	[sflag:s28] =	ssyncset.done $0x0  }
0xa9: {  	s22 =	rddreg [dreg:$0x6];
	[sflag:s28] =	ssyncadd.s32 $0xFFFF8000  }
0xaa: {  	[hbm4b:s22+s10] =	stream.linear.scatter [tilespmem:s0], [sflag:$0x1], $0x8000, $0x38;
	[tilespmem:$0x1E800] =	vst v63  }
0xab: {  	_ =	swait.ge [sflag:s28], $0x8000  }
0xac: {  	[sflag:s28] =	ssyncset.done $0x0  }
0xad: {  	s15 =	simm.s32 $0x0;
	s13 =	simm.s32 $0x0;
	[sflag:s28] =	ssyncadd.s32 $0xFFFF8000  }
.LBB2_12:
0xae: {  	s17 =	sshll.u32 s15, $0xD  }
0xaf: {  	s18 =	sadd.s32 s7, s17  }
0xb0: {  	s18 =	sshrl.u32 s18, $0x3  }
0xb1: {  	s18 =	sadd.s32 s1, s18  }
0xb2: {  	[tilespmem:s10], [sflag:$0x1] =	stream.linear.gather [hbm4b:s18+s10], $0x2000, $0x38;
	[tilespmem:$0x1E800] =	vst v63  }
0xb3: {  	s22 =	sor.u32 s5, s17;
	_ =	swait.ge [sflag:s28], $0x2000  }
0xb4: {  	s18 =	sshrl.u32 s22, $0x3;
	[sflag:s28] =	ssyncset.done $0x0  }
0xb5: {  	s18 =	sadd.s32 s4, s18;
	[sflag:s28] =	ssyncadd.s32 $0xFFFFE000  }
0xb6: {  	[tilespmem:s29], [sflag:$0x1] =	stream.linear.gather [hbm4b:s18+s10], $0x2000, $0x38;
	[tilespmem:$0x1E800] =	vst v63  }
0xb7: {  	s17 =	sadd.s32 s11, s17;
	_ =	swait.ge [sflag:s28], $0x2000  }
0xb8: {  	s17 =	sshrl.u32 s17, $0x3;
	[sflag:s28] =	ssyncset.done $0x0  }
0xb9: {  	s17 =	sadd.s32 s4, s17;
	[sflag:s28] =	ssyncadd.s32 $0xFFFFE000  }
0xba: {  	[tilespmem:s3], [sflag:$0x1] =	stream.linear.gather [hbm4b:s17+s10], $0x2000, $0x38;
	[tilespmem:$0x1E800] =	vst v63  }
0xbb: {  	_ =	swait.ge [sflag:s28], $0x2000  }
0xbc: {  	[sflag:s28] =	ssyncset.done $0x0  }
0xbd: {  	s18 =	simm.s32 $0x0;
	s17 =	smov.u32 s13;
	[sflag:s28] =	ssyncadd.s32 $0xFFFFE000  }
.LBB2_13:
0xbe: {  	s21 =	sshra.s32 s18, $0x2  }
0xbf: {  	v5 =	vld [tilespmem:s21+$0x0];
	_ =	sdelay $0x4  }
0xc0: {  	v6 =	vand.u32 $0x7FFF, v5;
	_ =	sdelay $0x4  }
0xc1: {  	v7 =	vld.idx.msk [tilespmem:v6+s0+$0x0], $0xffff;
	_ =	sdelay $0x3  }
0xc2: {  	v8 =	vor.u32 s17, v3;
	v5 =	vshra.s32 v5, $0xF  }
0xc3: {  	vm1 =	veq.s32 v5, v0;
	vm2 =	veq.s32 v7, v8  }
0xc4: {  	vm1 =	vmand vm1, vm2  }
0xc5: {  	v5 =	vld [tilespmem:s21+$0x2000];
	_ =	sdelay $0x4  }
0xc6: {  	[tilespmem:v6+s30+$0x0] =	vst.idx.msk vm1, v5  }
0xc7: {  	v5 =	vld [tilespmem:s21+$0x14800];
	_ =	sdelay $0x4  }
0xc8: {  	[tilespmem:v6+s2+$0x0] =	vst.idx.msk vm1, v5  }
0xc9: {  	v5 =	vld [tilespmem:s21+$0x10];
	_ =	sdelay $0x4  }
0xca: {  	v6 =	vand.u32 $0x7FFF, v5;
	_ =	sdelay $0x4  }
0xcb: {  	v7 =	vld.idx.msk [tilespmem:v6+s0+$0x0], $0xffff;
	_ =	sdelay $0x2  }
0xcc: {  	s22 =	sadd.s32 $0x10, s17  }
0xcd: {  	v63 =	vor.u32 s22, v3;
	v5 =	vshra.s32 v5, $0xF  }
0xce: {  	vm1 =	veq.s32 v5, v0;
	vm2 =	veq.s32 v7, v63  }
0xcf: {  	vm1 =	vmand vm1, vm2  }
0xd0: {  	v5 =	vld [tilespmem:s21+$0x2010];
	_ =	sdelay $0x4  }
0xd1: {  	[tilespmem:v6+s30+$0x0] =	vst.idx.msk vm1, v5  }
0xd2: {  	p0 =	sne.s32 s18, $0x7F80;
	v5 =	vld [tilespmem:s21+$0x14810]  }
.Ltmp8:
0xd3: {  	_ = 	snop;
	(pc) =	sbr.rel @p0 .LBB2_13-.Ltmp8, $2  }
0xd4: {  	_ =	sdelay $0x2  }
0xd5: {  	s17 =	sadd.s32 $0x20, s17;
	s18 =	sadd.s32 $0x80, s18;
	[tilespmem:v6+s2+$0x0] =	vst.idx.msk vm1, v5  }
0xd6: {  	s15 =	sadd.s32 $0x1, s15  }
0xd7: {  	p0 =	sne.s32 s15, $0x10  }
.Ltmp9:
0xd8: {  	_ = 	snop;
	(pc) =	sbr.rel @p0 .LBB2_12-.Ltmp9, $2  }
0xd9: {  	_ =	sdelay $0x2  }
0xda: {  	s13 =	sadd.s32 $0x2000, s13  }
0xdb: {  	s10 =	simm.s32 $0x0  }
0xdc: {  	[hbm4b:s12+s10] =	stream.linear.scatter [tilespmem:s30], [sflag:$0x1], $0x8000, $0x38;
	[tilespmem:$0x1E800] =	vst v63  }
0xdd: {  	_ =	swait.ge [sflag:s28], $0x8000  }
0xde: {  	[sflag:s28] =	ssyncset.done $0x0  }
0xdf: {  	s13 =	rddreg [dreg:$0x7];
	[sflag:s28] =	ssyncadd.s32 $0xFFFF8000  }
0xe0: {  	[hbm4b:s13+s10] =	stream.linear.scatter [tilespmem:s2], [sflag:$0x1], $0x8000, $0x38;
	[tilespmem:$0x1E800] =	vst v63  }
0xe1: {  	_ =	swait.ge [sflag:s28], $0x8000  }
0xe2: {  	[sflag:s28] =	ssyncset.done $0x0  }
0xe3: {  	s15 =	simm.s32 $0x0;
	s13 =	simm.s32 $0x0;
	[sflag:s28] =	ssyncadd.s32 $0xFFFF8000  }
.LBB2_16:
0xe4: {  	s17 =	sshll.u32 s15, $0xD  }
0xe5: {  	s18 =	sadd.s32 s7, s17  }
0xe6: {  	s18 =	sshrl.u32 s18, $0x3  }
0xe7: {  	s18 =	sadd.s32 s1, s18  }
0xe8: {  	[tilespmem:s10], [sflag:$0x1] =	stream.linear.gather [hbm4b:s18+s10], $0x2000, $0x38;
	[tilespmem:$0x1E800] =	vst v63  }
0xe9: {  	s17 =	sadd.s32 s14, s17;
	_ =	swait.ge [sflag:s28], $0x2000  }
0xea: {  	s17 =	sshrl.u32 s17, $0x3;
	[sflag:s28] =	ssyncset.done $0x0  }
0xeb: {  	s17 =	sadd.s32 s4, s17;
	[sflag:s28] =	ssyncadd.s32 $0xFFFFE000  }
0xec: {  	[tilespmem:s29], [sflag:$0x1] =	stream.linear.gather [hbm4b:s17+s10], $0x2000, $0x38;
	[tilespmem:$0x1E800] =	vst v63  }
0xed: {  	_ =	swait.ge [sflag:s28], $0x2000  }
0xee: {  	[sflag:s28] =	ssyncset.done $0x0  }
0xef: {  	s18 =	simm.s32 $0x0;
	s17 =	smov.u32 s13;
	[sflag:s28] =	ssyncadd.s32 $0xFFFFE000  }
.LBB2_17:
0xf0: {  	s21 =	sshra.s32 s18, $0x2  }
0xf1: {  	v5 =	vld [tilespmem:s21+$0x0];
	_ =	sdelay $0x4  }
0xf2: {  	v6 =	vand.u32 $0x7FFF, v5;
	_ =	sdelay $0x4  }
0xf3: {  	v7 =	vld.idx.msk [tilespmem:v6+s0+$0x0], $0xffff;
	_ =	sdelay $0x3  }
0xf4: {  	v8 =	vor.u32 s17, v3;
	v5 =	vshra.s32 v5, $0xF  }
0xf5: {  	vm1 =	veq.s32 v5, v0;
	vm2 =	veq.s32 v7, v8  }
0xf6: {  	vm1 =	vmand vm1, vm2  }
0xf7: {  	v5 =	vld [tilespmem:s21+$0x2000];
	_ =	sdelay $0x4  }
0xf8: {  	[tilespmem:v6+s30+$0x0] =	vst.idx.msk vm1, v5  }
0xf9: {  	v5 =	vld [tilespmem:s21+$0x10];
	_ =	sdelay $0x4  }
0xfa: {  	v6 =	vand.u32 $0x7FFF, v5;
	_ =	sdelay $0x4  }
0xfb: {  	v7 =	vld.idx.msk [tilespmem:v6+s0+$0x0], $0xffff;
	_ =	sdelay $0x2  }
0xfc: {  	s22 =	sadd.s32 $0x10, s17  }
0xfd: {  	v63 =	vor.u32 s22, v3;
	v5 =	vshra.s32 v5, $0xF  }
0xfe: {  	vm1 =	veq.s32 v5, v0;
	vm2 =	veq.s32 v7, v63  }
0xff: {  	vm1 =	vmand vm1, vm2  }
0x100: {  	p0 =	sne.s32 s18, $0x7F80;
	v5 =	vld [tilespmem:s21+$0x2010]  }
.Ltmp10:
0x101: {  	_ = 	snop;
	(pc) =	sbr.rel @p0 .LBB2_17-.Ltmp10, $2  }
0x102: {  	_ =	sdelay $0x2  }
0x103: {  	s17 =	sadd.s32 $0x20, s17;
	s18 =	sadd.s32 $0x80, s18;
	[tilespmem:v6+s30+$0x0] =	vst.idx.msk vm1, v5  }
0x104: {  	s15 =	sadd.s32 $0x1, s15  }
0x105: {  	p0 =	sne.s32 s15, $0x10  }
.Ltmp11:
0x106: {  	_ = 	snop;
	(pc) =	sbr.rel @p0 .LBB2_16-.Ltmp11, $2  }
0x107: {  	_ =	sdelay $0x2  }
0x108: {  	s13 =	sadd.s32 $0x2000, s13  }
0x109: {  	s10 =	simm.s32 $0x0;
	s13 =	rddreg [dreg:$0x8]  }
0x10a: {  	[hbm4b:s13+s10] =	stream.linear.scatter [tilespmem:s30], [sflag:$0x1], $0x8000, $0x38;
	[tilespmem:$0x1E800] =	vst v63  }
0x10b: {  	_ =	swait.ge [sflag:s28], $0x8000  }
0x10c: {  	[sflag:s28] =	ssyncset.done $0x0  }
0x10d: {  	s15 =	simm.s32 $0x0;
	s13 =	simm.s32 $0x40;
	[sflag:s28] =	ssyncadd.s32 $0xFFFF8000  }
.LBB2_20:
0x10e: {  	p0 =	sne.s32 s13, $0x1FFC0;
	[tilespmem:s15+$0x4000] =	vst v1;
	s17 =	smov.u32 s13;
	s13 =	sadd.s32 $0x40, s13  }
.Ltmp12:
0x10f: {  	[tilespmem:s15+$0xC000] =	vst v2;
	(pc) =	sbr.rel @p0 .LBB2_20-.Ltmp12, $2  }
0x110: {  	_ =	sdelay $0x2  }
0x111: {  	s15 =	sshra.s32 s17, $0x2  }
.Ltmp13:
0x112: {  	(pc) =	sbr.rel .LBB2_22-.Ltmp13, $3  }
0x113: {  	_ =	sdelay $0x1  }
0x114: {  	[tilespmem:s15+$0x4000] =	vst v1  }
0x115: {  	[tilespmem:s15+$0xC000] =	vst v2;
	s13 =	simm.s32 $0x0  }
.LBB2_26:
0x116: {  	s13 =	sadd.s32 $0x1, s13  }
0x117: {  	p0 =	sne.s32 s13, $0x10  }
.Ltmp14:
0x118: {  	_ = 	snop;
	(pc) =	sbr.rel @!p0 .LBB2_27-.Ltmp14, $2  }
0x119: {  	_ =	sdelay $0x2  }
0x11a: {  	s10 =	sadd.s32 $0x2000, s10  }
.LBB2_22:
0x11b: {  	s15 =	sshll.u32 s13, $0xD  }
0x11c: {  	s17 =	sadd.s32 s20, s15  }
0x11d: {  	s17 =	sshrl.u32 s17, $0x3  }
0x11e: {  	s18 =	sadd.s32 s1, s17;
	s17 =	simm.s32 $0x0  }
0x11f: {  	[tilespmem:s17], [sflag:$0x1] =	stream.linear.gather [hbm4b:s18+s17], $0x2000, $0x38;
	[tilespmem:$0x1E800] =	vst v63  }
0x120: {  	s22 =	sadd.s32 s16, s15;
	_ =	swait.ge [sflag:s28], $0x2000  }
0x121: {  	s18 =	sshrl.u32 s22, $0x3;
	[sflag:s28] =	ssyncset.done $0x0  }
0x122: {  	s18 =	sadd.s32 s18, s8;
	[sflag:s28] =	ssyncadd.s32 $0xFFFFE000  }
0x123: {  	[tilespmem:s29], [sflag:$0x1] =	stream.linear.gather [hbm4b:s18+s17], $0x2000, $0x38;
	[tilespmem:$0x1E800] =	vst v63  }
0x124: {  	_ =	swait.ge [sflag:s28], $0x2000  }
0x125: {  	[sflag:s28] =	ssyncset.done $0x0  }
0x126: {  	vm1 =	vmmov vm0;
	s18 =	smov.u32 s10;
	[sflag:s28] =	ssyncadd.s32 $0xFFFFE000  }
.LBB2_23:
0x127: {  	s21 =	sshra.s32 s17, $0x2  }
0x128: {  	v5 =	vld [tilespmem:s21+$0x0];
	_ =	sdelay $0x4  }
0x129: {  	v6 =	vand.u32 $0x7FFF, v5;
	_ =	sdelay $0x3  }
0x12a: {  	v7 =	vld [tilespmem:s21+$0x2000]  }
0x12b: {  	v8 =	vld.idx.msk [tilespmem:v6+s30+$0x0], $0xffff;
	_ =	sdelay $0x3  }
0x12c: {  	v9 =	vshra.s32 v5, $0xF  }
0x12d: {  	vm2 =	veq.s32 v9, v0;
	vm3 =	vlt.f32 v7, v8  }
0x12e: {  	vm2 =	vmand vm2, vm3  }
0x12f: {  	v5 =	vand.u32 $0x7FF, v5;
	_ =	sdelay $0x4  }
0x130: {  	[tilespmem:v5+s31+$0x0] =	vst.idx.msk vm2, v3  }
0x131: {  	v5 =	vld.idx.msk [tilespmem:v5+s31+$0x0], $0xffff;
	_ =	sdelay $0x4  }
0x132: {  	vm3 =	veq.s32 v5, v3  }
0x133: {  	vm3 =	vmand vm2, vm3;
	_ =	sdelay $0x5  }
0x134: {  	v5 =	vor.u32 s18, v3;
	[tilespmem:v6+s30+$0x0] =	vst.idx.msk vm3, v7  }
0x135: {  	[tilespmem:v6+s0+$0x0] =	vst.idx.msk vm3, v5  }
0x136: {  	v5 =	vld [tilespmem:s21+$0x10];
	_ =	sdelay $0x4  }
0x137: {  	v6 =	vand.u32 $0x7FFF, v5;
	_ =	sdelay $0x3  }
0x138: {  	v7 =	vld [tilespmem:s21+$0x2010]  }
0x139: {  	v62 =	vld.idx.msk [tilespmem:v6+s30+$0x0], $0xffff;
	_ =	sdelay $0x3  }
0x13a: {  	v63 =	vshra.s32 v5, $0xF  }
0x13b: {  	vm4 =	veq.s32 v63, v0;
	vm5 =	vlt.f32 v7, v62  }
0x13c: {  	vm4 =	vmand vm4, vm5  }
0x13d: {  	v5 =	vand.u32 $0x7FF, v5;
	_ =	sdelay $0x4  }
0x13e: {  	[tilespmem:v5+s31+$0x0] =	vst.idx.msk vm4, v3  }
0x13f: {  	v5 =	vld.idx.msk [tilespmem:v5+s31+$0x0], $0xffff;
	_ =	sdelay $0x4  }
0x140: {  	vm15 =	veq.s32 v5, v3  }
0x141: {  	vm5 =	vmand vm4, vm15;
	_ =	sdelay $0x1  }
0x142: {  	p0 =	seq.s32 s17, $0x7F80  }
.Ltmp15:
0x143: {  	_ = 	snop;
	(pc) =	sbr.rel @!p0 .LBB2_23-.Ltmp15, $4  }
0x144: {  	_ = 	snop  }
0x145: {  	s22 =	sadd.s32 $0x10, s18;
	vm2 =	vmxor vm2, vm3;
	vm3 =	vmxor vm4, vm5  }
0x146: {  	v5 =	vor.u32 s22, v3;
	vm2 =	vmor vm2, vm3;
	[tilespmem:v6+s30+$0x0] =	vst.idx.msk vm5, v7  }
0x147: {  	s17 =	sadd.s32 $0x80, s17;
	s18 =	sadd.s32 $0x20, s18;
	vm1 =	vmor vm1, vm2;
	[tilespmem:v6+s0+$0x0] =	vst.idx.msk vm5, v5  }
0x148: {  	v5 =	vsel vm1, $0x3F800000, v4  }
0x149: {  	(xrf0) =	vmax.scan.msk.f32 $0xffff, v5;
	_ =	sdelay $0x5  }
0x14a: {  	v5, _, _ =	vpop (xrf0)  }
0x14b: {  	(v2sf) =	vpush v5, $0xF;
	_ =	sdelay $0xe  }
0x14c: {  	s17 =	spop (v2sf)  }
0x14d: {  	p0 =	sgt.f32 s17, $0.0e+00  }
.Ltmp16:
0x14e: {  	_ = 	snop;
	(pc) =	sbr.rel @!p0 .LBB2_26-.Ltmp16, $2  }
0x14f: {  	_ =	sdelay $0x2  }
0x150: {  	vm1 =	vmmov vm0;
	s17 =	simm.s32 $0x0  }
.LBB2_25:
0x151: {  	s18 =	sshll.u32 s17, $0x5  }
0x152: {  	v5 =	vld [tilespmem:s18+$0x0];
	_ =	sdelay $0x4  }
0x153: {  	v6 =	vand.u32 $0x7FFF, v5;
	_ =	sdelay $0x3  }
0x154: {  	v7 =	vld [tilespmem:s18+$0x2000]  }
0x155: {  	v8 =	vld.idx.msk [tilespmem:v6+s30+$0x0], $0xffff  }
0x156: {  	v9 =	vld.idx.msk [tilespmem:v6+s0+$0x0], $0xffff;
	_ =	sdelay $0x2  }
0x157: {  	s21 =	sor.u32 s15, s18  }
0x158: {  	v10 =	vor.u32 s21, v3  }
0x159: {  	vm2 =	veq.f32 v7, v8;
	vm3 =	vlt.s32 v10, v9  }
0x15a: {  	v59 =	vshra.s32 v5, $0xF;
	vm4 =	vlt.f32 v7, v8;
	vm2 =	vmand vm2, vm3  }
0x15b: {  	vm3 =	veq.s32 v59, v0;
	vm2 =	vmor vm4, vm2  }
0x15c: {  	vm2 =	vmand vm3, vm2  }
0x15d: {  	v5 =	vand.u32 $0x7FF, v5;
	_ =	sdelay $0x4  }
0x15e: {  	[tilespmem:v5+s31+$0x0] =	vst.idx.msk vm2, v3  }
0x15f: {  	v5 =	vld.idx.msk [tilespmem:v5+s31+$0x0], $0xffff;
	_ =	sdelay $0x4  }
0x160: {  	vm3 =	veq.s32 v5, v3  }
0x161: {  	vm3 =	vmand vm3, vm2;
	_ =	sdelay $0x5  }
0x162: {  	[tilespmem:v6+s30+$0x0] =	vst.idx.msk vm3, v7  }
0x163: {  	[tilespmem:v6+s0+$0x0] =	vst.idx.msk vm3, v10  }
0x164: {  	v5 =	vld [tilespmem:s18+$0x10];
	_ =	sdelay $0x4  }
0x165: {  	v6 =	vand.u32 $0x7FFF, v5;
	_ =	sdelay $0x3  }
0x166: {  	v7 =	vld [tilespmem:s18+$0x2010]  }
0x167: {  	v60 =	vld.idx.msk [tilespmem:v6+s30+$0x0], $0xffff  }
0x168: {  	v61 =	vld.idx.msk [tilespmem:v6+s0+$0x0], $0xffff;
	_ =	sdelay $0x1  }
0x169: {  	s18 =	sor.u32 $0x10, s18  }
0x16a: {  	s18 =	sor.u32 s15, s18  }
0x16b: {  	v62 =	vor.u32 s18, v3  }
0x16c: {  	vm13 =	veq.f32 v7, v60;
	vm5 =	vlt.s32 v62, v61  }
0x16d: {  	v63 =	vshra.s32 v5, $0xF;
	vm14 =	vlt.f32 v7, v60;
	vm4 =	vmand vm13, vm5  }
0x16e: {  	vm6 =	veq.s32 v63, v0;
	vm4 =	vmor vm14, vm4  }
0x16f: {  	vm4 =	vmand vm6, vm4  }
0x170: {  	v5 =	vand.u32 $0x7FF, v5;
	_ =	sdelay $0x4  }
0x171: {  	[tilespmem:v5+s31+$0x0] =	vst.idx.msk vm4, v3  }
0x172: {  	v5 =	vld.idx.msk [tilespmem:v5+s31+$0x0], $0xffff;
	_ =	sdelay $0x4  }
0x173: {  	vm15 =	veq.s32 v5, v3  }
0x174: {  	vm5 =	vmand vm15, vm4  }
0x175: {  	s17 =	sadd.s32 $0x1, s17;
	vm2 =	vmxor vm2, vm3;
	vm3 =	vmxor vm4, vm5  }
0x176: {  	p0 =	seq.s32 s17, $0x100;
	vm2 =	vmor vm2, vm3  }
0x177: {  	v5 =	vimm.f32 @p0 $0.0e+00;
	vm1 =	vmor vm1, vm2  }
0x178: {  	v5 =	vsel @p0 vm1, $0x3F800000, v5  }
0x179: {  	(xrf0) =	vmax.scan.msk.f32 @p0 $0xffff, v5;
	_ =	sdelay $0x5  }
0x17a: {  	v5, _, _ =	vpop @p0 (xrf0)  }
0x17b: {  	(v2sf) =	vpush @p0 v5, $0xF;
	_ =	sdelay $0xe  }
0x17c: {  	s18 =	spop @p0 (v2sf)  }
0x17d: {  	p1 =	sgt.f32 @p0 s18, $0.0e+00;
	_ =	sdelay $0x1  }
0x17e: {  	p1 =	por !p0, p1  }
.Ltmp17:
0x17f: {  	_ = 	snop;
	(pc) =	sbr.rel @p1 .LBB2_25-.Ltmp17, $3  }
0x180: {  	_ =	sdelay $0x1  }
0x181: {  	vm2 =	vmxor @p0 vm2, vm2;
	[tilespmem:v6+s30+$0x0] =	vst.idx.msk vm5, v7  }
0x182: {  	s17 =	simm.s32 @p0 $0x0;
	vm1 =	vmmov @p0 vm2;
	[tilespmem:v6+s0+$0x0] =	vst.idx.msk vm5, v62  }
.Ltmp18:
0x183: {  	_ = 	snop;
	(pc) =	sbr.rel .LBB2_26-.Ltmp18, $1  }
0x184: {  	_ =	sdelay $0x3  }
.LBB2_27:
0x185: {  	s10 =	simm.s32 $0x0  }
0x186: {  	v5 =	vld [tilespmem:s10+$0xC000];
	_ =	sdelay $0x1  }
0x187: {  	v6 =	vld [tilespmem:s10+$0x4000];
	_ =	sdelay $0x2  }
0x188: {  	vm1 =	vlt.s32 v5, $0x20000  }
0x189: {  	[tilespmem:s10+$0x16800] =	vst v4;
	v7 =	vnsel vm1, $0xFFFFFFFF, v5  }
0x18a: {  	s15 =	simm.s32 $0x10;
	s13 =	simm.s32 $0x80;
	v5 =	vnsel vm1, $0x0, v6;
	[tilespmem:s10+$0xC000] =	vst v7  }
.LBB2_28:
0x18b: {  	p0 =	sne.s32 s13, $0x1FFC0;
	v6 =	vld [tilespmem:s15+$0xC000];
	[tilespmem:s10+$0x4000] =	vst v5;
	s10 =	smov.u32 s15  }
0x18c: {  	v5 =	vld [tilespmem:s10+$0x4000];
	[tilespmem:s10+$0x16800] =	vst v4;
	_ =	sdelay $0x1  }
.Ltmp19:
0x18d: {  	(pc) =	sbr.rel @p0 .LBB2_28-.Ltmp19, $4  }
0x18e: {  	_ = 	snop  }
0x18f: {  	vm1 =	vlt.s32 v6, $0x20000  }
0x190: {  	v6 =	vnsel vm1, $0xFFFFFFFF, v6;
	v5 =	vnsel vm1, $0x0, v5  }
0x191: {  	s15 =	sshra.s32 s13, $0x2;
	s13 =	sadd.s32 $0x40, s13;
	[tilespmem:s10+$0xC000] =	vst v6  }
0x192: {  	v6 =	vld [tilespmem:s15+$0xC000]  }
0x193: {  	[tilespmem:s10+$0x4000] =	vst v5  }
0x194: {  	v5 =	vld [tilespmem:s15+$0x4000];
	_ =	sdelay $0x2  }
0x195: {  	vm1 =	vlt.s32 v6, $0x20000  }
0x196: {  	[tilespmem:s15+$0x16800] =	vst v4;
	v6 =	vnsel vm1, $0xFFFFFFFF, v6  }
0x197: {  	v5 =	vnsel vm1, $0x0, v5;
	[tilespmem:s15+$0xC000] =	vst v6  }
0x198: {  	s10 =	simm.s32 $0x0;
	s13 =	rddreg [dreg:$0x9];
	[tilespmem:s15+$0x4000] =	vst v5  }
0x199: {  	[hbm4b:s13+s10] =	stream.linear.scatter [tilespmem:s30], [sflag:$0x1], $0x8000, $0x38;
	[tilespmem:$0x1E800] =	vst v63  }
0x19a: {  	_ =	swait.ge [sflag:s28], $0x8000  }
0x19b: {  	[sflag:s28] =	ssyncset.done $0x0  }
0x19c: {  	s22 =	rddreg [dreg:$0xa];
	[sflag:s28] =	ssyncadd.s32 $0xFFFF8000  }
0x19d: {  	[hbm4b:s22+s10] =	stream.linear.scatter [tilespmem:s0], [sflag:$0x1], $0x8000, $0x38;
	[tilespmem:$0x1E800] =	vst v63  }
0x19e: {  	_ =	swait.ge [sflag:s28], $0x8000  }
0x19f: {  	[sflag:s28] =	ssyncset.done $0x0  }
0x1a0: {  	s15 =	simm.s32 $0x0;
	s13 =	simm.s32 $0x0;
	[sflag:s28] =	ssyncadd.s32 $0xFFFF8000  }
.LBB2_30:
0x1a1: {  	s17 =	sshll.u32 s15, $0xD  }
0x1a2: {  	s18 =	sadd.s32 s20, s17  }
0x1a3: {  	s18 =	sshrl.u32 s18, $0x3  }
0x1a4: {  	s18 =	sadd.s32 s1, s18  }
0x1a5: {  	[tilespmem:s10], [sflag:$0x1] =	stream.linear.gather [hbm4b:s18+s10], $0x2000, $0x38;
	[tilespmem:$0x1E800] =	vst v63  }
0x1a6: {  	s22 =	sor.u32 s19, s17;
	_ =	swait.ge [sflag:s28], $0x2000  }
0x1a7: {  	s18 =	sshrl.u32 s22, $0x3;
	[sflag:s28] =	ssyncset.done $0x0  }
0x1a8: {  	s18 =	sadd.s32 s4, s18;
	[sflag:s28] =	ssyncadd.s32 $0xFFFFE000  }
0x1a9: {  	[tilespmem:s29], [sflag:$0x1] =	stream.linear.gather [hbm4b:s18+s10], $0x2000, $0x38;
	[tilespmem:$0x1E800] =	vst v63  }
0x1aa: {  	s17 =	sadd.s32 s25, s17;
	_ =	swait.ge [sflag:s28], $0x2000  }
0x1ab: {  	s17 =	sshrl.u32 s17, $0x3;
	[sflag:s28] =	ssyncset.done $0x0  }
0x1ac: {  	s17 =	sadd.s32 s4, s17;
	[sflag:s28] =	ssyncadd.s32 $0xFFFFE000  }
0x1ad: {  	[tilespmem:s3], [sflag:$0x1] =	stream.linear.gather [hbm4b:s17+s10], $0x2000, $0x38;
	[tilespmem:$0x1E800] =	vst v63  }
0x1ae: {  	_ =	swait.ge [sflag:s28], $0x2000  }
0x1af: {  	[sflag:s28] =	ssyncset.done $0x0  }
0x1b0: {  	s18 =	simm.s32 $0x0;
	s17 =	smov.u32 s13;
	[sflag:s28] =	ssyncadd.s32 $0xFFFFE000  }
.LBB2_31:
0x1b1: {  	s21 =	sshra.s32 s18, $0x2  }
0x1b2: {  	v5 =	vld [tilespmem:s21+$0x0];
	_ =	sdelay $0x4  }
0x1b3: {  	v6 =	vand.u32 $0x7FFF, v5;
	_ =	sdelay $0x4  }
0x1b4: {  	v7 =	vld.idx.msk [tilespmem:v6+s0+$0x0], $0xffff;
	_ =	sdelay $0x3  }
0x1b5: {  	v8 =	vor.u32 s17, v3;
	v5 =	vshra.s32 v5, $0xF  }
0x1b6: {  	vm1 =	veq.s32 v5, v0;
	vm2 =	veq.s32 v7, v8  }
0x1b7: {  	vm1 =	vmand vm1, vm2  }
0x1b8: {  	v5 =	vld [tilespmem:s21+$0x2000];
	_ =	sdelay $0x4  }
0x1b9: {  	[tilespmem:v6+s30+$0x0] =	vst.idx.msk vm1, v5  }
0x1ba: {  	v5 =	vld [tilespmem:s21+$0x14800];
	_ =	sdelay $0x4  }
0x1bb: {  	[tilespmem:v6+s2+$0x0] =	vst.idx.msk vm1, v5  }
0x1bc: {  	v5 =	vld [tilespmem:s21+$0x10];
	_ =	sdelay $0x4  }
0x1bd: {  	v6 =	vand.u32 $0x7FFF, v5;
	_ =	sdelay $0x4  }
0x1be: {  	v7 =	vld.idx.msk [tilespmem:v6+s0+$0x0], $0xffff;
	_ =	sdelay $0x2  }
0x1bf: {  	s22 =	sadd.s32 $0x10, s17  }
0x1c0: {  	v63 =	vor.u32 s22, v3;
	v5 =	vshra.s32 v5, $0xF  }
0x1c1: {  	vm1 =	veq.s32 v5, v0;
	vm2 =	veq.s32 v7, v63  }
0x1c2: {  	vm1 =	vmand vm1, vm2  }
0x1c3: {  	v5 =	vld [tilespmem:s21+$0x2010];
	_ =	sdelay $0x4  }
0x1c4: {  	[tilespmem:v6+s30+$0x0] =	vst.idx.msk vm1, v5  }
0x1c5: {  	p0 =	sne.s32 s18, $0x7F80;
	v5 =	vld [tilespmem:s21+$0x14810]  }
.Ltmp20:
0x1c6: {  	_ = 	snop;
	(pc) =	sbr.rel @p0 .LBB2_31-.Ltmp20, $2  }
0x1c7: {  	_ =	sdelay $0x2  }
0x1c8: {  	s17 =	sadd.s32 $0x20, s17;
	s18 =	sadd.s32 $0x80, s18;
	[tilespmem:v6+s2+$0x0] =	vst.idx.msk vm1, v5  }
0x1c9: {  	s15 =	sadd.s32 $0x1, s15  }
0x1ca: {  	p0 =	sne.s32 s15, $0x10  }
.Ltmp21:
0x1cb: {  	_ = 	snop;
	(pc) =	sbr.rel @p0 .LBB2_30-.Ltmp21, $2  }
0x1cc: {  	_ =	sdelay $0x2  }
0x1cd: {  	s13 =	sadd.s32 $0x2000, s13  }
0x1ce: {  	s10 =	simm.s32 $0x0;
	s13 =	rddreg [dreg:$0xb]  }
0x1cf: {  	[hbm4b:s13+s10] =	stream.linear.scatter [tilespmem:s30], [sflag:$0x1], $0x8000, $0x38;
	[tilespmem:$0x1E800] =	vst v63  }
0x1d0: {  	_ =	swait.ge [sflag:s28], $0x8000  }
0x1d1: {  	[sflag:s28] =	ssyncset.done $0x0  }
0x1d2: {  	s22 =	rddreg [dreg:$0xc];
	[sflag:s28] =	ssyncadd.s32 $0xFFFF8000  }
0x1d3: {  	[hbm4b:s22+s10] =	stream.linear.scatter [tilespmem:s2], [sflag:$0x1], $0x8000, $0x38;
	[tilespmem:$0x1E800] =	vst v63  }
0x1d4: {  	_ =	swait.ge [sflag:s28], $0x8000  }
0x1d5: {  	[sflag:s28] =	ssyncset.done $0x0  }
0x1d6: {  	s15 =	simm.s32 $0x0;
	s13 =	simm.s32 $0x0;
	[sflag:s28] =	ssyncadd.s32 $0xFFFF8000  }
.LBB2_34:
0x1d7: {  	s17 =	sshll.u32 s15, $0xD  }
0x1d8: {  	s18 =	sadd.s32 s20, s17  }
0x1d9: {  	s18 =	sshrl.u32 s18, $0x3  }
0x1da: {  	s18 =	sadd.s32 s1, s18  }
0x1db: {  	[tilespmem:s10], [sflag:$0x1] =	stream.linear.gather [hbm4b:s18+s10], $0x2000, $0x38;
	[tilespmem:$0x1E800] =	vst v63  }
0x1dc: {  	s17 =	sadd.s32 s26, s17;
	_ =	swait.ge [sflag:s28], $0x2000  }
0x1dd: {  	s17 =	sshrl.u32 s17, $0x3;
	[sflag:s28] =	ssyncset.done $0x0  }
0x1de: {  	s17 =	sadd.s32 s4, s17;
	[sflag:s28] =	ssyncadd.s32 $0xFFFFE000  }
0x1df: {  	[tilespmem:s29], [sflag:$0x1] =	stream.linear.gather [hbm4b:s17+s10], $0x2000, $0x38;
	[tilespmem:$0x1E800] =	vst v63  }
0x1e0: {  	_ =	swait.ge [sflag:s28], $0x2000  }
0x1e1: {  	[sflag:s28] =	ssyncset.done $0x0  }
0x1e2: {  	s18 =	simm.s32 $0x0;
	s17 =	smov.u32 s13;
	[sflag:s28] =	ssyncadd.s32 $0xFFFFE000  }
.LBB2_35:
0x1e3: {  	s21 =	sshra.s32 s18, $0x2  }
0x1e4: {  	v5 =	vld [tilespmem:s21+$0x0];
	_ =	sdelay $0x4  }
0x1e5: {  	v6 =	vand.u32 $0x7FFF, v5;
	_ =	sdelay $0x4  }
0x1e6: {  	v7 =	vld.idx.msk [tilespmem:v6+s0+$0x0], $0xffff;
	_ =	sdelay $0x3  }
0x1e7: {  	v8 =	vor.u32 s17, v3;
	v5 =	vshra.s32 v5, $0xF  }
0x1e8: {  	vm1 =	veq.s32 v5, v0;
	vm2 =	veq.s32 v7, v8  }
0x1e9: {  	vm1 =	vmand vm1, vm2  }
0x1ea: {  	v5 =	vld [tilespmem:s21+$0x2000];
	_ =	sdelay $0x4  }
0x1eb: {  	[tilespmem:v6+s30+$0x0] =	vst.idx.msk vm1, v5  }
0x1ec: {  	v5 =	vld [tilespmem:s21+$0x10];
	_ =	sdelay $0x4  }
0x1ed: {  	v6 =	vand.u32 $0x7FFF, v5;
	_ =	sdelay $0x4  }
0x1ee: {  	v7 =	vld.idx.msk [tilespmem:v6+s0+$0x0], $0xffff;
	_ =	sdelay $0x2  }
0x1ef: {  	s22 =	sadd.s32 $0x10, s17  }
0x1f0: {  	v63 =	vor.u32 s22, v3;
	v5 =	vshra.s32 v5, $0xF  }
0x1f1: {  	vm1 =	veq.s32 v5, v0;
	vm2 =	veq.s32 v7, v63  }
0x1f2: {  	vm1 =	vmand vm1, vm2  }
0x1f3: {  	p0 =	sne.s32 s18, $0x7F80;
	v5 =	vld [tilespmem:s21+$0x2010]  }
.Ltmp22:
0x1f4: {  	_ = 	snop;
	(pc) =	sbr.rel @p0 .LBB2_35-.Ltmp22, $2  }
0x1f5: {  	_ =	sdelay $0x2  }
0x1f6: {  	s17 =	sadd.s32 $0x20, s17;
	s18 =	sadd.s32 $0x80, s18;
	[tilespmem:v6+s30+$0x0] =	vst.idx.msk vm1, v5  }
0x1f7: {  	s15 =	sadd.s32 $0x1, s15  }
0x1f8: {  	p0 =	sne.s32 s15, $0x10  }
.Ltmp23:
0x1f9: {  	_ = 	snop;
	(pc) =	sbr.rel @p0 .LBB2_34-.Ltmp23, $2  }
0x1fa: {  	_ =	sdelay $0x2  }
0x1fb: {  	s13 =	sadd.s32 $0x2000, s13  }
0x1fc: {  	s9 =	sadd.s32 $0x1, s9  }
0x1fd: {  	p0 =	sne.s32 s9, s24  }
.Ltmp24:
0x1fe: {  	s10 =	simm.s32 $0x0;
	(pc) =	sbr.rel @p0 .LBB2_1-.Ltmp24, $4  }
0x1ff: {  	[hbm4b:s23+s10] =	stream.linear.scatter [tilespmem:s30], [sflag:$0x1], $0x8000, $0x38;
	[tilespmem:$0x1E800] =	vst v63  }
0x200: {  	_ =	swait.ge [sflag:s28], $0x8000  }
0x201: {  	[sflag:s28] =	ssyncset.done $0x0  }
0x202: {  	[sflag:s28] =	ssyncadd.s32 $0xFFFF8000  }
0x203: {  	_ =	sfence.sel $0x180000  }
0x204: {  	[bflag:$0x0] =	sbarrier.arrive $0xFFFF  }
0x205: {  	_ =	strace $0x90000047  }
0x206: {  	s0 =	stileid.u32;
	[bflag:$0x2] =	sbarrier.arrive $0xFFFF  }
0x207: {  	p0 =	sne.s32 s0, $0x0;
	s0 =	rddreg [dreg:$0x4]  }
0x208: {  	s0 =	sadd.s32 @!p0 $0x100000, s0  }
0x209: {  	[sflag:s0] =	ssyncadd.tile.s32 @!p0 $0x1;
	_ =	shalt  }
.Lfunc_end2:
_tile_overlayer_lowered:
.L_overlay_start_2:
0x20a: {  	(tag) =	ssettag $0x2  }
0x20b: {  	s0 =	rddreg [dreg:$0x0];
	s2 =	stileid.u32  }
0x20c: {  	s1 =	rddreg [dreg:$0x1];
	p0 =	sne.s32 s2, $0x0  }
0x20d: {  	s3 =	rddreg [dreg:$0x2];
	[bflag:$0x3] =	sbarrier.arrive $0xFFFF;
	s2 =	simm.s32 @!p0 $0x1C01  }
0x20e: {  	[timem:s3], [sflag:s2] =	dma.local @!p0 [hbm:s0], s1  }
0x20f: {  	s0 =	simm.s32 @!p0 $0x1  }
0x210: {  	_ =	swait.ge @!p0 [sflag:s0], s1  }
0x211: {  	s1 =	ssub.s32 @!p0 $0x0, s1;
	[sflag:s0] =	ssyncset.done @!p0 $0x0  }
0x212: {  	[sflag:s0] =	ssyncadd.s32 @!p0 s1  }
0x213: {  	[bflag:$0x3] =	sbarrier.arrive $0xFFFF  }
0x214: {  	_ =	shalt  }

</sc_bundles>
